<compile_context>
chip_gen: v7x
topology: tpu7x:2x2x1
jax: 0.10.2.dev20260603
libtpu: 0.0.44.dev20260713+nightly
codegen_flags: <defaults>
</compile_context>

<pallas_src>
import jax
import jax.numpy as jnp
from jax import lax
from jax.experimental import pallas as pl
from jax.experimental.pallas import tpu as pltpu
from jax.experimental.pallas import tpu_sc as plsc

NC = 2
NS = 16
L = 16
NW = NC * NS


def _make_body(rows_per_w, d, bi, bo):
    nib = rows_per_w // bi
    nch = d // L

    def compute(perm_v, in_v, out0, out1):
        @plsc.parallel_loop(0, nch, unroll=4)
        def _chunk(i):
            idx = perm_v[pl.ds(i * L, L)]
            for r in range(bi):
                row = jnp.full((L,), r, dtype=jnp.int32)
                tgt = out0 if r < bo else out1
                tgt[r % bo, pl.ds(i * L, L)] = plsc.load_gather(
                    in_v, [row, idx])

    def body(x_hbm, perm_hbm, out_hbm, perm_v,
             in0, in1, out0, out1, sin0, sin1, sout0, sout1, sperm):
        c = lax.axis_index("c")
        s = lax.axis_index("s")
        wid = s * NC + c
        base = wid * rows_per_w
        ins, outs = (in0, in1), (out0, out1)
        sins, souts = (sin0, sin1), (sout0, sout1)

        def in_copy(blk, j):
            return pltpu.make_async_copy(
                x_hbm.at[pl.ds(base + blk * bi, bi), :],
                ins[j], sins[j])

        def out_copy(oblk, h):
            return pltpu.make_async_copy(
                outs[h],
                out_hbm.at[pl.ds(base + oblk * bo, bo), :],
                souts[h])

        perm_copy = pltpu.make_async_copy(perm_hbm, perm_v, sperm)
        perm_copy.start()
        in_copy(0, 0).start()
        in_copy(1, 1).start()
        perm_copy.wait()

        def pair(t, carry):
            for j in range(2):
                blk = t * 2 + j
                ob = blk * 2
                in_copy(blk, j).wait()

                @pl.when(ob >= 2)
                def _wait_out():
                    out_copy(ob - 2, 0).wait()
                    out_copy(ob - 1, 1).wait()

                compute(perm_v, ins[j], outs[0], outs[1])
                out_copy(ob, 0).start()
                out_copy(ob + 1, 1).start()

                @pl.when(blk + 2 < nib)
                def _prefetch():
                    in_copy(blk + 2, j).start()
            return carry

        lax.fori_loop(0, nib // 2, pair, 0, unroll=False)
        out_copy(2 * nib - 2, 0).wait()
        out_copy(2 * nib - 1, 1).wait()

    return body


def _permute(x2, perm, rows, d, bi, bo):
    rows_per_w = rows // NW
    body = _make_body(rows_per_w, d, bi, bo)
    return pl.kernel(
        body,
        out_type=jax.ShapeDtypeStruct((rows, d), jnp.float32),
        mesh=plsc.VectorSubcoreMesh(
            core_axis_name="c", subcore_axis_name="s",
            num_cores=NC, num_subcores=NS),
        scratch_types=[
            pltpu.VMEM((d,), jnp.int32),
            pltpu.VMEM((bi, d), jnp.float32),
            pltpu.VMEM((bi, d), jnp.float32),
            pltpu.VMEM((bo, d), jnp.float32),
            pltpu.VMEM((bo, d), jnp.float32),
            pltpu.SemaphoreType.DMA,
            pltpu.SemaphoreType.DMA,
            pltpu.SemaphoreType.DMA,
            pltpu.SemaphoreType.DMA,
            pltpu.SemaphoreType.DMA,
        ],
        compiler_params=pltpu.CompilerParams(needs_layout_passes=False),
    )(x2, perm)


def kernel(x, permutation):
    lead = x.shape[:-1]
    d = x.shape[-1]
    rows = 1
    for n in lead:
        rows *= n
    x2 = x.reshape(rows, d)
    perm = permutation.astype(jnp.int32)
    out = _permute(x2, perm, rows, d, bi=16, bo=8)
    return out.reshape(x.shape)

# --- scband reference (transcript-rebuilt; emitter-appended) ---
"""Pipeline reference for scband-permute-layer-62251255988635 (READ-ONLY COPY).

The authoritative reference and input builder live on the scoring server;
editing this copy changes nothing except your own understanding.
"""

import jax, jax.numpy as jnp
import numpy as np


def setup_inputs(seed: int = 0) -> dict:
    key = jax.random.key(seed)
    kx, kp = jax.random.split(key)
    x = jax.random.normal(kx, (4, 4096, 2048), dtype=jnp.float32)
    # learned 'parameter': a fixed random permutation of the last dim, as in _init_permutation
    permutation = jax.random.permutation(kp, 2048)
    return {"x": x, "permutation": permutation}


def reference(x, permutation):
    # _PermuteLayer.__call__ with inverse=False:
    # the nn.cond takes the identity branch, so the stored permutation is used directly.
    xm = jnp.moveaxis(x, -1, 0)
    xm = xm[permutation]
    return jnp.moveaxis(xm, 0, -1)

if __name__ == "__main__":
    import jax
    _d = setup_inputs()
    print(jax.jit(kernel)(*tuple(_d.values())))

</pallas_src>

<mosaic_0001>
#map = affine_map<(d0, d1) -> (0, 0)>
#map1 = affine_map<(d0, d1) -> (0)>
module attributes {stable_mosaic.version = 14 : i64} {
  func.func @body(%arg0: i32, %arg1: i32, %arg2: memref<16384x2048xf32, #tpu.memory_space<hbm>>, %arg3: memref<2048xi32, #tpu.memory_space<hbm>>, %arg4: memref<16384x2048xf32, #tpu.memory_space<hbm>>, %arg5: memref<2048xi32, #tpu.memory_space<vmem>>, %arg6: memref<16x2048xf32, #tpu.memory_space<vmem>>, %arg7: memref<16x2048xf32, #tpu.memory_space<vmem>>, %arg8: memref<8x2048xf32, #tpu.memory_space<vmem>>, %arg9: memref<8x2048xf32, #tpu.memory_space<vmem>>, %arg10: memref<!tpu.dma_semaphore, #tpu.memory_space<semaphore_mem>>, %arg11: memref<!tpu.dma_semaphore, #tpu.memory_space<semaphore_mem>>, %arg12: memref<!tpu.dma_semaphore, #tpu.memory_space<semaphore_mem>>, %arg13: memref<!tpu.dma_semaphore, #tpu.memory_space<semaphore_mem>>, %arg14: memref<!tpu.dma_semaphore, #tpu.memory_space<semaphore_mem>>) attributes {dimension_semantics = [#tpu.dimension_semantics<core_parallel>, #tpu.dimension_semantics<subcore_parallel>], iteration_bounds = array<i64: 2, 16>, scalar_prefetch = 0 : i64, scratch_operands = 10 : i64, tpu.core_type = #tpu.core_type<sc_vector_subcore>, window_params = [{transform_indices = #map}, {transform_indices = #map1}, {transform_indices = #map}]} {
    %mul3A = arith.constant 2 : i32
    %mul3A_0 = arith.muli %arg1, %mul3A : i32
    %add3A = arith.addi %mul3A_0, %arg0 : i32
    %mul3A_1 = arith.constant 512 : i32
    %mul3A_2 = arith.muli %add3A, %mul3A_1 : i32
    tpu.enqueue_dma source(%arg3 : memref<2048xi32, #tpu.memory_space<hbm>>) target(%arg5 : memref<2048xi32, #tpu.memory_space<vmem>>) target_semaphore(%arg14 : memref<!tpu.dma_semaphore, #tpu.memory_space<semaphore_mem>>)
    %add3A_3 = arith.constant 0 : i32
    %add3A_4 = arith.addi %mul3A_2, %add3A_3 : i32
    %dma_start3A = arith.constant 0 : i32
    %dma_start3A_5 = tpu.memref_slice %arg2[%add3A_4, %dma_start3A] : memref<16384x2048xf32, #tpu.memory_space<hbm>> -> memref<16x2048xf32, #tpu.memory_space<hbm>>
    %dma_start3A_6 = arith.constant 0 : i32
    %dma_start3A_7 = tpu.memref_slice %arg2[%add3A_4, %dma_start3A_6] : memref<16384x2048xf32, #tpu.memory_space<hbm>> -> memref<16x2048xf32, #tpu.memory_space<hbm>>
    tpu.enqueue_dma source(%dma_start3A_7 : memref<16x2048xf32, #tpu.memory_space<hbm>>) target(%arg6 : memref<16x2048xf32, #tpu.memory_space<vmem>>) target_semaphore(%arg10 : memref<!tpu.dma_semaphore, #tpu.memory_space<semaphore_mem>>)
    %add3A_8 = arith.constant 16 : i32
    %add3A_9 = arith.addi %mul3A_2, %add3A_8 : i32
    %dma_start3A_10 = arith.constant 0 : i32
    %dma_start3A_11 = tpu.memref_slice %arg2[%add3A_9, %dma_start3A_10] : memref<16384x2048xf32, #tpu.memory_space<hbm>> -> memref<16x2048xf32, #tpu.memory_space<hbm>>
    %dma_start3A_12 = arith.constant 0 : i32
    %dma_start3A_13 = tpu.memref_slice %arg2[%add3A_9, %dma_start3A_12] : memref<16384x2048xf32, #tpu.memory_space<hbm>> -> memref<16x2048xf32, #tpu.memory_space<hbm>>
    tpu.enqueue_dma source(%dma_start3A_13 : memref<16x2048xf32, #tpu.memory_space<hbm>>) target(%arg7 : memref<16x2048xf32, #tpu.memory_space<vmem>>) target_semaphore(%arg11 : memref<!tpu.dma_semaphore, #tpu.memory_space<semaphore_mem>>)
    tpu.wait_dma2 semaphore(%arg14 : memref<!tpu.dma_semaphore, #tpu.memory_space<semaphore_mem>>) src(%arg3 : memref<2048xi32, #tpu.memory_space<hbm>>) dst(%arg5 : memref<2048xi32, #tpu.memory_space<vmem>>)
    %scan3A = arith.constant 0 : i32
    %scan3A_14 = arith.constant 0 : i32
    %scan3A_15 = arith.constant 16 : i32
    %scan3A_16 = arith.addi %scan3A_14, %scan3A_15 : i32
    %scan3A_17 = arith.constant 1 : i32
    scf.for %scan3A_30 = %scan3A_14 to %scan3A_16 step %scan3A_17  : i32 {
      %mul3A_31 = arith.constant 2 : i32
      %mul3A_32 = arith.muli %scan3A_30, %mul3A_31 : i32
      %add3A_33 = arith.constant 0 : i32
      %add3A_34 = arith.addi %mul3A_32, %add3A_33 : i32
      %mul3A_35 = arith.constant 2 : i32
      %mul3A_36 = arith.muli %add3A_34, %mul3A_35 : i32
      %mul3A_37 = arith.constant 16 : i32
      %mul3A_38 = arith.muli %add3A_34, %mul3A_37 : i32
      %add3A_39 = arith.addi %mul3A_2, %mul3A_38 : i32
      %dma_wait3A_40 = arith.constant 0 : i32
      %dma_wait3A_41 = tpu.memref_slice %arg2[%add3A_39, %dma_wait3A_40] : memref<16384x2048xf32, #tpu.memory_space<hbm>> -> memref<16x2048xf32, #tpu.memory_space<hbm>>
      %dma_wait3A_42 = arith.constant 0 : i32
      %dma_wait3A_43 = tpu.memref_slice %arg2[%add3A_39, %dma_wait3A_42] : memref<16384x2048xf32, #tpu.memory_space<hbm>> -> memref<16x2048xf32, #tpu.memory_space<hbm>>
      tpu.wait_dma2 semaphore(%arg10 : memref<!tpu.dma_semaphore, #tpu.memory_space<semaphore_mem>>) src(%dma_wait3A_43 : memref<16x2048xf32, #tpu.memory_space<hbm>>) dst(%arg6 : memref<16x2048xf32, #tpu.memory_space<vmem>>)
      %ge3A = arith.constant 2 : i32
      %ge3A_44 = arith.cmpi sge, %mul3A_36, %ge3A : i32
      %convert_element_type3A = arith.extui %ge3A_44 : i1 to i32
      %cond3A = arith.constant 0 : i32
      %cond3A_45 = arith.cmpi ne, %convert_element_type3A, %cond3A : i32
      scf.if %cond3A_45 {
        %sub3A = arith.constant 2 : i32
        %sub3A_114 = arith.subi %mul3A_36, %sub3A : i32
        %mul3A_115 = arith.constant 8 : i32
        %mul3A_116 = arith.muli %sub3A_114, %mul3A_115 : i32
        %add3A_117 = arith.addi %mul3A_2, %mul3A_116 : i32
        %dma_wait3A_118 = arith.constant 0 : i32
        %dma_wait3A_119 = tpu.memref_slice %arg4[%add3A_117, %dma_wait3A_118] : memref<16384x2048xf32, #tpu.memory_space<hbm>> -> memref<8x2048xf32, #tpu.memory_space<hbm>>
        %dma_wait3A_120 = arith.constant 0 : i32
        %dma_wait3A_121 = tpu.memref_slice %arg4[%add3A_117, %dma_wait3A_120] : memref<16384x2048xf32, #tpu.memory_space<hbm>> -> memref<8x2048xf32, #tpu.memory_space<hbm>>
        tpu.wait_dma2 semaphore(%arg12 : memref<!tpu.dma_semaphore, #tpu.memory_space<semaphore_mem>>) src(%arg8 : memref<8x2048xf32, #tpu.memory_space<vmem>>) dst(%dma_wait3A_121 : memref<8x2048xf32, #tpu.memory_space<hbm>>)
        %sub3A_122 = arith.constant 1 : i32
        %sub3A_123 = arith.subi %mul3A_36, %sub3A_122 : i32
        %mul3A_124 = arith.constant 8 : i32
        %mul3A_125 = arith.muli %sub3A_123, %mul3A_124 : i32
        %add3A_126 = arith.addi %mul3A_2, %mul3A_125 : i32
        %dma_wait3A_127 = arith.constant 0 : i32
        %dma_wait3A_128 = tpu.memref_slice %arg4[%add3A_126, %dma_wait3A_127] : memref<16384x2048xf32, #tpu.memory_space<hbm>> -> memref<8x2048xf32, #tpu.memory_space<hbm>>
        %dma_wait3A_129 = arith.constant 0 : i32
        %dma_wait3A_130 = tpu.memref_slice %arg4[%add3A_126, %dma_wait3A_129] : memref<16384x2048xf32, #tpu.memory_space<hbm>> -> memref<8x2048xf32, #tpu.memory_space<hbm>>
        tpu.wait_dma2 semaphore(%arg13 : memref<!tpu.dma_semaphore, #tpu.memory_space<semaphore_mem>>) src(%arg9 : memref<8x2048xf32, #tpu.memory_space<vmem>>) dst(%dma_wait3A_130 : memref<8x2048xf32, #tpu.memory_space<hbm>>)
      } else {
      }
      %parallel_loop3A = arith.constant 0 : i32
      %parallel_loop3A_46 = arith.constant 128 : i32
      %parallel_loop3A_47 = arith.constant 1 : i32
      scf.for %parallel_loop3A_114 = %parallel_loop3A to %parallel_loop3A_46 step %parallel_loop3A_47  : i32 {
        %parallel_loop3A_115 = arith.constant 16 : i32
        %parallel_loop3A_116 = arith.muli %parallel_loop3A_114, %parallel_loop3A_115 : i32
        %parallel_loop3A_117 = arith.index_cast %parallel_loop3A_116 : i32 to index
        %parallel_loop3A_118 = tpu.vector_load %arg5[%parallel_loop3A_117] {strides = array<i32>} : memref<2048xi32, #tpu.memory_space<vmem>>, vector<16xi32>,
        %parallel_loop3A_119 = arith.constant 0 : i32
        %parallel_loop3A_120 = vector.broadcast %parallel_loop3A_119 : i32 to vector<16xi32>
        %parallel_loop3A_121 = tpu.vector_load_idx %arg6[%parallel_loop3A_120, %parallel_loop3A_118] : memref<16x2048xf32, #tpu.memory_space<vmem>>[vector<16xi32>, vector<16xi32>], vector<16xf32>,
        %parallel_loop3A_122 = arith.constant 16 : i32
        %parallel_loop3A_123 = arith.muli %parallel_loop3A_114, %parallel_loop3A_122 : i32
        %parallel_loop3A_124 = arith.constant 0 : i32
        %parallel_loop3A_125 = arith.index_cast %parallel_loop3A_124 : i32 to index
        %parallel_loop3A_126 = arith.index_cast %parallel_loop3A_123 : i32 to index
        %parallel_loop3A_127 = tpu.vector_load %arg8[%parallel_loop3A_125, %parallel_loop3A_126] {strides = array<i32>} : memref<8x2048xf32, #tpu.memory_space<vmem>>, vector<16xf32>,
        tpu.vector_store %arg8[%parallel_loop3A_125, %parallel_loop3A_126], %parallel_loop3A_121 {strides = array<i32>} : memref<8x2048xf32, #tpu.memory_space<vmem>>, vector<16xf32>,
        %parallel_loop3A_128 = arith.constant 1 : i32
        %parallel_loop3A_129 = vector.broadcast %parallel_loop3A_128 : i32 to vector<16xi32>
        %parallel_loop3A_130 = tpu.vector_load_idx %arg6[%parallel_loop3A_129, %parallel_loop3A_118] : memref<16x2048xf32, #tpu.memory_space<vmem>>[vector<16xi32>, vector<16xi32>], vector<16xf32>,
        %parallel_loop3A_131 = arith.constant 16 : i32
        %parallel_loop3A_132 = arith.muli %parallel_loop3A_114, %parallel_loop3A_131 : i32
        %parallel_loop3A_133 = arith.constant 1 : i32
        %parallel_loop3A_134 = arith.index_cast %parallel_loop3A_133 : i32 to index
        %parallel_loop3A_135 = arith.index_cast %parallel_loop3A_132 : i32 to index
        %parallel_loop3A_136 = tpu.vector_load %arg8[%parallel_loop3A_134, %parallel_loop3A_135] {strides = array<i32>} : memref<8x2048xf32, #tpu.memory_space<vmem>>, vector<16xf32>,
        tpu.vector_store %arg8[%parallel_loop3A_134, %parallel_loop3A_135], %parallel_loop3A_130 {strides = array<i32>} : memref<8x2048xf32, #tpu.memory_space<vmem>>, vector<16xf32>,
        %parallel_loop3A_137 = arith.constant 2 : i32
        %parallel_loop3A_138 = vector.broadcast %parallel_loop3A_137 : i32 to vector<16xi32>
        %parallel_loop3A_139 = tpu.vector_load_idx %arg6[%parallel_loop3A_138, %parallel_loop3A_118] : memref<16x2048xf32, #tpu.memory_space<vmem>>[vector<16xi32>, vector<16xi32>], vector<16xf32>,
        %parallel_loop3A_140 = arith.constant 16 : i32
        %parallel_loop3A_141 = arith.muli %parallel_loop3A_114, %parallel_loop3A_140 : i32
        %parallel_loop3A_142 = arith.constant 2 : i32
        %parallel_loop3A_143 = arith.index_cast %parallel_loop3A_142 : i32 to index
        %parallel_loop3A_144 = arith.index_cast %parallel_loop3A_141 : i32 to index
        %parallel_loop3A_145 = tpu.vector_load %arg8[%parallel_loop3A_143, %parallel_loop3A_144] {strides = array<i32>} : memref<8x2048xf32, #tpu.memory_space<vmem>>, vector<16xf32>,
        tpu.vector_store %arg8[%parallel_loop3A_143, %parallel_loop3A_144], %parallel_loop3A_139 {strides = array<i32>} : memref<8x2048xf32, #tpu.memory_space<vmem>>, vector<16xf32>,
        %parallel_loop3A_146 = arith.constant 3 : i32
        %parallel_loop3A_147 = vector.broadcast %parallel_loop3A_146 : i32 to vector<16xi32>
        %parallel_loop3A_148 = tpu.vector_load_idx %arg6[%parallel_loop3A_147, %parallel_loop3A_118] : memref<16x2048xf32, #tpu.memory_space<vmem>>[vector<16xi32>, vector<16xi32>], vector<16xf32>,
        %parallel_loop3A_149 = arith.constant 16 : i32
        %parallel_loop3A_150 = arith.muli %parallel_loop3A_114, %parallel_loop3A_149 : i32
        %parallel_loop3A_151 = arith.constant 3 : i32
        %parallel_loop3A_152 = arith.index_cast %parallel_loop3A_151 : i32 to index
        %parallel_loop3A_153 = arith.index_cast %parallel_loop3A_150 : i32 to index
        %parallel_loop3A_154 = tpu.vector_load %arg8[%parallel_loop3A_152, %parallel_loop3A_153] {strides = array<i32>} : memref<8x2048xf32, #tpu.memory_space<vmem>>, vector<16xf32>,
        tpu.vector_store %arg8[%parallel_loop3A_152, %parallel_loop3A_153], %parallel_loop3A_148 {strides = array<i32>} : memref<8x2048xf32, #tpu.memory_space<vmem>>, vector<16xf32>,
        %parallel_loop3A_155 = arith.constant 4 : i32
        %parallel_loop3A_156 = vector.broadcast %parallel_loop3A_155 : i32 to vector<16xi32>
        %parallel_loop3A_157 = tpu.vector_load_idx %arg6[%parallel_loop3A_156, %parallel_loop3A_118] : memref<16x2048xf32, #tpu.memory_space<vmem>>[vector<16xi32>, vector<16xi32>], vector<16xf32>,
        %parallel_loop3A_158 = arith.constant 16 : i32
        %parallel_loop3A_159 = arith.muli %parallel_loop3A_114, %parallel_loop3A_158 : i32
        %parallel_loop3A_160 = arith.constant 4 : i32
        %parallel_loop3A_161 = arith.index_cast %parallel_loop3A_160 : i32 to index
        %parallel_loop3A_162 = arith.index_cast %parallel_loop3A_159 : i32 to index
        %parallel_loop3A_163 = tpu.vector_load %arg8[%parallel_loop3A_161, %parallel_loop3A_162] {strides = array<i32>} : memref<8x2048xf32, #tpu.memory_space<vmem>>, vector<16xf32>,
        tpu.vector_store %arg8[%parallel_loop3A_161, %parallel_loop3A_162], %parallel_loop3A_157 {strides = array<i32>} : memref<8x2048xf32, #tpu.memory_space<vmem>>, vector<16xf32>,
        %parallel_loop3A_164 = arith.constant 5 : i32
        %parallel_loop3A_165 = vector.broadcast %parallel_loop3A_164 : i32 to vector<16xi32>
        %parallel_loop3A_166 = tpu.vector_load_idx %arg6[%parallel_loop3A_165, %parallel_loop3A_118] : memref<16x2048xf32, #tpu.memory_space<vmem>>[vector<16xi32>, vector<16xi32>], vector<16xf32>,
        %parallel_loop3A_167 = arith.constant 16 : i32
        %parallel_loop3A_168 = arith.muli %parallel_loop3A_114, %parallel_loop3A_167 : i32
        %parallel_loop3A_169 = arith.constant 5 : i32
        %parallel_loop3A_170 = arith.index_cast %parallel_loop3A_169 : i32 to index
        %parallel_loop3A_171 = arith.index_cast %parallel_loop3A_168 : i32 to index
        %parallel_loop3A_172 = tpu.vector_load %arg8[%parallel_loop3A_170, %parallel_loop3A_171] {strides = array<i32>} : memref<8x2048xf32, #tpu.memory_space<vmem>>, vector<16xf32>,
        tpu.vector_store %arg8[%parallel_loop3A_170, %parallel_loop3A_171], %parallel_loop3A_166 {strides = array<i32>} : memref<8x2048xf32, #tpu.memory_space<vmem>>, vector<16xf32>,
        %parallel_loop3A_173 = arith.constant 6 : i32
        %parallel_loop3A_174 = vector.broadcast %parallel_loop3A_173 : i32 to vector<16xi32>
        %parallel_loop3A_175 = tpu.vector_load_idx %arg6[%parallel_loop3A_174, %parallel_loop3A_118] : memref<16x2048xf32, #tpu.memory_space<vmem>>[vector<16xi32>, vector<16xi32>], vector<16xf32>,
        %parallel_loop3A_176 = arith.constant 16 : i32
        %parallel_loop3A_177 = arith.muli %parallel_loop3A_114, %parallel_loop3A_176 : i32
        %parallel_loop3A_178 = arith.constant 6 : i32
        %parallel_loop3A_179 = arith.index_cast %parallel_loop3A_178 : i32 to index
        %parallel_loop3A_180 = arith.index_cast %parallel_loop3A_177 : i32 to index
        %parallel_loop3A_181 = tpu.vector_load %arg8[%parallel_loop3A_179, %parallel_loop3A_180] {strides = array<i32>} : memref<8x2048xf32, #tpu.memory_space<vmem>>, vector<16xf32>,
        tpu.vector_store %arg8[%parallel_loop3A_179, %parallel_loop3A_180], %parallel_loop3A_175 {strides = array<i32>} : memref<8x2048xf32, #tpu.memory_space<vmem>>, vector<16xf32>,
        %parallel_loop3A_182 = arith.constant 7 : i32
        %parallel_loop3A_183 = vector.broadcast %parallel_loop3A_182 : i32 to vector<16xi32>
        %parallel_loop3A_184 = tpu.vector_load_idx %arg6[%parallel_loop3A_183, %parallel_loop3A_118] : memref<16x2048xf32, #tpu.memory_space<vmem>>[vector<16xi32>, vector<16xi32>], vector<16xf32>,
        %parallel_loop3A_185 = arith.constant 16 : i32
        %parallel_loop3A_186 = arith.muli %parallel_loop3A_114, %parallel_loop3A_185 : i32
        %parallel_loop3A_187 = arith.constant 7 : i32
        %parallel_loop3A_188 = arith.index_cast %parallel_loop3A_187 : i32 to index
        %parallel_loop3A_189 = arith.index_cast %parallel_loop3A_186 : i32 to index
        %parallel_loop3A_190 = tpu.vector_load %arg8[%parallel_loop3A_188, %parallel_loop3A_189] {strides = array<i32>} : memref<8x2048xf32, #tpu.memory_space<vmem>>, vector<16xf32>,
        tpu.vector_store %arg8[%parallel_loop3A_188, %parallel_loop3A_189], %parallel_loop3A_184 {strides = array<i32>} : memref<8x2048xf32, #tpu.memory_space<vmem>>, vector<16xf32>,
        %parallel_loop3A_191 = arith.constant 8 : i32
        %parallel_loop3A_192 = vector.broadcast %parallel_loop3A_191 : i32 to vector<16xi32>
        %parallel_loop3A_193 = tpu.vector_load_idx %arg6[%parallel_loop3A_192, %parallel_loop3A_118] : memref<16x2048xf32, #tpu.memory_space<vmem>>[vector<16xi32>, vector<16xi32>], vector<16xf32>,
        %parallel_loop3A_194 = arith.constant 16 : i32
        %parallel_loop3A_195 = arith.muli %parallel_loop3A_114, %parallel_loop3A_194 : i32
        %parallel_loop3A_196 = arith.constant 0 : i32
        %parallel_loop3A_197 = arith.index_cast %parallel_loop3A_196 : i32 to index
        %parallel_loop3A_198 = arith.index_cast %parallel_loop3A_195 : i32 to index
        %parallel_loop3A_199 = tpu.vector_load %arg9[%parallel_loop3A_197, %parallel_loop3A_198] {strides = array<i32>} : memref<8x2048xf32, #tpu.memory_space<vmem>>, vector<16xf32>,
        tpu.vector_store %arg9[%parallel_loop3A_197, %parallel_loop3A_198], %parallel_loop3A_193 {strides = array<i32>} : memref<8x2048xf32, #tpu.memory_space<vmem>>, vector<16xf32>,
        %parallel_loop3A_200 = arith.constant 9 : i32
        %parallel_loop3A_201 = vector.broadcast %parallel_loop3A_200 : i32 to vector<16xi32>
        %parallel_loop3A_202 = tpu.vector_load_idx %arg6[%parallel_loop3A_201, %parallel_loop3A_118] : memref<16x2048xf32, #tpu.memory_space<vmem>>[vector<16xi32>, vector<16xi32>], vector<16xf32>,
        %parallel_loop3A_203 = arith.constant 16 : i32
        %parallel_loop3A_204 = arith.muli %parallel_loop3A_114, %parallel_loop3A_203 : i32
        %parallel_loop3A_205 = arith.constant 1 : i32
        %parallel_loop3A_206 = arith.index_cast %parallel_loop3A_205 : i32 to index
        %parallel_loop3A_207 = arith.index_cast %parallel_loop3A_204 : i32 to index
        %parallel_loop3A_208 = tpu.vector_load %arg9[%parallel_loop3A_206, %parallel_loop3A_207] {strides = array<i32>} : memref<8x2048xf32, #tpu.memory_space<vmem>>, vector<16xf32>,
        tpu.vector_store %arg9[%parallel_loop3A_206, %parallel_loop3A_207], %parallel_loop3A_202 {strides = array<i32>} : memref<8x2048xf32, #tpu.memory_space<vmem>>, vector<16xf32>,
        %parallel_loop3A_209 = arith.constant 10 : i32
        %parallel_loop3A_210 = vector.broadcast %parallel_loop3A_209 : i32 to vector<16xi32>
        %parallel_loop3A_211 = tpu.vector_load_idx %arg6[%parallel_loop3A_210, %parallel_loop3A_118] : memref<16x2048xf32, #tpu.memory_space<vmem>>[vector<16xi32>, vector<16xi32>], vector<16xf32>,
        %parallel_loop3A_212 = arith.constant 16 : i32
        %parallel_loop3A_213 = arith.muli %parallel_loop3A_114, %parallel_loop3A_212 : i32
        %parallel_loop3A_214 = arith.constant 2 : i32
        %parallel_loop3A_215 = arith.index_cast %parallel_loop3A_214 : i32 to index
        %parallel_loop3A_216 = arith.index_cast %parallel_loop3A_213 : i32 to index
        %parallel_loop3A_217 = tpu.vector_load %arg9[%parallel_loop3A_215, %parallel_loop3A_216] {strides = array<i32>} : memref<8x2048xf32, #tpu.memory_space<vmem>>, vector<16xf32>,
        tpu.vector_store %arg9[%parallel_loop3A_215, %parallel_loop3A_216], %parallel_loop3A_211 {strides = array<i32>} : memref<8x2048xf32, #tpu.memory_space<vmem>>, vector<16xf32>,
        %parallel_loop3A_218 = arith.constant 11 : i32
        %parallel_loop3A_219 = vector.broadcast %parallel_loop3A_218 : i32 to vector<16xi32>
        %parallel_loop3A_220 = tpu.vector_load_idx %arg6[%parallel_loop3A_219, %parallel_loop3A_118] : memref<16x2048xf32, #tpu.memory_space<vmem>>[vector<16xi32>, vector<16xi32>], vector<16xf32>,
        %parallel_loop3A_221 = arith.constant 16 : i32
        %parallel_loop3A_222 = arith.muli %parallel_loop3A_114, %parallel_loop3A_221 : i32
        %parallel_loop3A_223 = arith.constant 3 : i32
        %parallel_loop3A_224 = arith.index_cast %parallel_loop3A_223 : i32 to index
        %parallel_loop3A_225 = arith.index_cast %parallel_loop3A_222 : i32 to index
        %parallel_loop3A_226 = tpu.vector_load %arg9[%parallel_loop3A_224, %parallel_loop3A_225] {strides = array<i32>} : memref<8x2048xf32, #tpu.memory_space<vmem>>, vector<16xf32>,
        tpu.vector_store %arg9[%parallel_loop3A_224, %parallel_loop3A_225], %parallel_loop3A_220 {strides = array<i32>} : memref<8x2048xf32, #tpu.memory_space<vmem>>, vector<16xf32>,
        %parallel_loop3A_227 = arith.constant 12 : i32
        %parallel_loop3A_228 = vector.broadcast %parallel_loop3A_227 : i32 to vector<16xi32>
        %parallel_loop3A_229 = tpu.vector_load_idx %arg6[%parallel_loop3A_228, %parallel_loop3A_118] : memref<16x2048xf32, #tpu.memory_space<vmem>>[vector<16xi32>, vector<16xi32>], vector<16xf32>,
        %parallel_loop3A_230 = arith.constant 16 : i32
        %parallel_loop3A_231 = arith.muli %parallel_loop3A_114, %parallel_loop3A_230 : i32
        %parallel_loop3A_232 = arith.constant 4 : i32
        %parallel_loop3A_233 = arith.index_cast %parallel_loop3A_232 : i32 to index
        %parallel_loop3A_234 = arith.index_cast %parallel_loop3A_231 : i32 to index
        %parallel_loop3A_235 = tpu.vector_load %arg9[%parallel_loop3A_233, %parallel_loop3A_234] {strides = array<i32>} : memref<8x2048xf32, #tpu.memory_space<vmem>>, vector<16xf32>,
        tpu.vector_store %arg9[%parallel_loop3A_233, %parallel_loop3A_234], %parallel_loop3A_229 {strides = array<i32>} : memref<8x2048xf32, #tpu.memory_space<vmem>>, vector<16xf32>,
        %parallel_loop3A_236 = arith.constant 13 : i32
        %parallel_loop3A_237 = vector.broadcast %parallel_loop3A_236 : i32 to vector<16xi32>
        %parallel_loop3A_238 = tpu.vector_load_idx %arg6[%parallel_loop3A_237, %parallel_loop3A_118] : memref<16x2048xf32, #tpu.memory_space<vmem>>[vector<16xi32>, vector<16xi32>], vector<16xf32>,
        %parallel_loop3A_239 = arith.constant 16 : i32
        %parallel_loop3A_240 = arith.muli %parallel_loop3A_114, %parallel_loop3A_239 : i32
        %parallel_loop3A_241 = arith.constant 5 : i32
        %parallel_loop3A_242 = arith.index_cast %parallel_loop3A_241 : i32 to index
        %parallel_loop3A_243 = arith.index_cast %parallel_loop3A_240 : i32 to index
        %parallel_loop3A_244 = tpu.vector_load %arg9[%parallel_loop3A_242, %parallel_loop3A_243] {strides = array<i32>} : memref<8x2048xf32, #tpu.memory_space<vmem>>, vector<16xf32>,
        tpu.vector_store %arg9[%parallel_loop3A_242, %parallel_loop3A_243], %parallel_loop3A_238 {strides = array<i32>} : memref<8x2048xf32, #tpu.memory_space<vmem>>, vector<16xf32>,
        %parallel_loop3A_245 = arith.constant 14 : i32
        %parallel_loop3A_246 = vector.broadcast %parallel_loop3A_245 : i32 to vector<16xi32>
        %parallel_loop3A_247 = tpu.vector_load_idx %arg6[%parallel_loop3A_246, %parallel_loop3A_118] : memref<16x2048xf32, #tpu.memory_space<vmem>>[vector<16xi32>, vector<16xi32>], vector<16xf32>,
        %parallel_loop3A_248 = arith.constant 16 : i32
        %parallel_loop3A_249 = arith.muli %parallel_loop3A_114, %parallel_loop3A_248 : i32
        %parallel_loop3A_250 = arith.constant 6 : i32
        %parallel_loop3A_251 = arith.index_cast %parallel_loop3A_250 : i32 to index
        %parallel_loop3A_252 = arith.index_cast %parallel_loop3A_249 : i32 to index
        %parallel_loop3A_253 = tpu.vector_load %arg9[%parallel_loop3A_251, %parallel_loop3A_252] {strides = array<i32>} : memref<8x2048xf32, #tpu.memory_space<vmem>>, vector<16xf32>,
        tpu.vector_store %arg9[%parallel_loop3A_251, %parallel_loop3A_252], %parallel_loop3A_247 {strides = array<i32>} : memref<8x2048xf32, #tpu.memory_space<vmem>>, vector<16xf32>,
        %parallel_loop3A_254 = arith.constant 15 : i32
        %parallel_loop3A_255 = vector.broadcast %parallel_loop3A_254 : i32 to vector<16xi32>
        %parallel_loop3A_256 = tpu.vector_load_idx %arg6[%parallel_loop3A_255, %parallel_loop3A_118] : memref<16x2048xf32, #tpu.memory_space<vmem>>[vector<16xi32>, vector<16xi32>], vector<16xf32>,
        %parallel_loop3A_257 = arith.constant 16 : i32
        %parallel_loop3A_258 = arith.muli %parallel_loop3A_114, %parallel_loop3A_257 : i32
        %parallel_loop3A_259 = arith.constant 7 : i32
        %parallel_loop3A_260 = arith.index_cast %parallel_loop3A_259 : i32 to index
        %parallel_loop3A_261 = arith.index_cast %parallel_loop3A_258 : i32 to index
        %parallel_loop3A_262 = tpu.vector_load %arg9[%parallel_loop3A_260, %parallel_loop3A_261] {strides = array<i32>} : memref<8x2048xf32, #tpu.memory_space<vmem>>, vector<16xf32>,
        tpu.vector_store %arg9[%parallel_loop3A_260, %parallel_loop3A_261], %parallel_loop3A_256 {strides = array<i32>} : memref<8x2048xf32, #tpu.memory_space<vmem>>, vector<16xf32>,
      } {sc.loop_unroll_factor = 4 : i64, sc.parallel_access}
      %mul3A_48 = arith.constant 8 : i32
      %mul3A_49 = arith.muli %mul3A_36, %mul3A_48 : i32
      %add3A_50 = arith.addi %mul3A_2, %mul3A_49 : i32
      %dma_start3A_51 = arith.constant 0 : i32
      %dma_start3A_52 = tpu.memref_slice %arg4[%add3A_50, %dma_start3A_51] : memref<16384x2048xf32, #tpu.memory_space<hbm>> -> memref<8x2048xf32, #tpu.memory_space<hbm>>
      %dma_start3A_53 = arith.constant 0 : i32
      %dma_start3A_54 = tpu.memref_slice %arg4[%add3A_50, %dma_start3A_53] : memref<16384x2048xf32, #tpu.memory_space<hbm>> -> memref<8x2048xf32, #tpu.memory_space<hbm>>
      tpu.enqueue_dma source(%arg8 : memref<8x2048xf32, #tpu.memory_space<vmem>>) target(%dma_start3A_54 : memref<8x2048xf32, #tpu.memory_space<hbm>>) target_semaphore(%arg12 : memref<!tpu.dma_semaphore, #tpu.memory_space<semaphore_mem>>)
      %add3A_55 = arith.constant 1 : i32
      %add3A_56 = arith.addi %mul3A_36, %add3A_55 : i32
      %mul3A_57 = arith.constant 8 : i32
      %mul3A_58 = arith.muli %add3A_56, %mul3A_57 : i32
      %add3A_59 = arith.addi %mul3A_2, %mul3A_58 : i32
      %dma_start3A_60 = arith.constant 0 : i32
      %dma_start3A_61 = tpu.memref_slice %arg4[%add3A_59, %dma_start3A_60] : memref<16384x2048xf32, #tpu.memory_space<hbm>> -> memref<8x2048xf32, #tpu.memory_space<hbm>>
      %dma_start3A_62 = arith.constant 0 : i32
      %dma_start3A_63 = tpu.memref_slice %arg4[%add3A_59, %dma_start3A_62] : memref<16384x2048xf32, #tpu.memory_space<hbm>> -> memref<8x2048xf32, #tpu.memory_space<hbm>>
      tpu.enqueue_dma source(%arg9 : memref<8x2048xf32, #tpu.memory_space<vmem>>) target(%dma_start3A_63 : memref<8x2048xf32, #tpu.memory_space<hbm>>) target_semaphore(%arg13 : memref<!tpu.dma_semaphore, #tpu.memory_space<semaphore_mem>>)
      %add3A_64 = arith.constant 2 : i32
      %add3A_65 = arith.addi %add3A_34, %add3A_64 : i32
      %lt3A = arith.constant 32 : i32
      %lt3A_66 = arith.cmpi slt, %add3A_65, %lt3A : i32
      %convert_element_type3A_67 = arith.extui %lt3A_66 : i1 to i32
      %cond3A_68 = arith.constant 0 : i32
      %cond3A_69 = arith.cmpi ne, %convert_element_type3A_67, %cond3A_68 : i32
      scf.if %cond3A_69 {
        %add3A_114 = arith.constant 2 : i32
        %add3A_115 = arith.addi %add3A_34, %add3A_114 : i32
        %mul3A_116 = arith.constant 16 : i32
        %mul3A_117 = arith.muli %add3A_115, %mul3A_116 : i32
        %add3A_118 = arith.addi %mul3A_2, %mul3A_117 : i32
        %dma_start3A_119 = arith.constant 0 : i32
        %dma_start3A_120 = tpu.memref_slice %arg2[%add3A_118, %dma_start3A_119] : memref<16384x2048xf32, #tpu.memory_space<hbm>> -> memref<16x2048xf32, #tpu.memory_space<hbm>>
        %dma_start3A_121 = arith.constant 0 : i32
        %dma_start3A_122 = tpu.memref_slice %arg2[%add3A_118, %dma_start3A_121] : memref<16384x2048xf32, #tpu.memory_space<hbm>> -> memref<16x2048xf32, #tpu.memory_space<hbm>>
        tpu.enqueue_dma source(%dma_start3A_122 : memref<16x2048xf32, #tpu.memory_space<hbm>>) target(%arg6 : memref<16x2048xf32, #tpu.memory_space<vmem>>) target_semaphore(%arg10 : memref<!tpu.dma_semaphore, #tpu.memory_space<semaphore_mem>>)
      } else {
      }
      %mul3A_70 = arith.constant 2 : i32
      %mul3A_71 = arith.muli %scan3A_30, %mul3A_70 : i32
      %add3A_72 = arith.constant 1 : i32
      %add3A_73 = arith.addi %mul3A_71, %add3A_72 : i32
      %mul3A_74 = arith.constant 2 : i32
      %mul3A_75 = arith.muli %add3A_73, %mul3A_74 : i32
      %mul3A_76 = arith.constant 16 : i32
      %mul3A_77 = arith.muli %add3A_73, %mul3A_76 : i32
      %add3A_78 = arith.addi %mul3A_2, %mul3A_77 : i32
      %dma_wait3A_79 = arith.constant 0 : i32
      %dma_wait3A_80 = tpu.memref_slice %arg2[%add3A_78, %dma_wait3A_79] : memref<16384x2048xf32, #tpu.memory_space<hbm>> -> memref<16x2048xf32, #tpu.memory_space<hbm>>
      %dma_wait3A_81 = arith.constant 0 : i32
      %dma_wait3A_82 = tpu.memref_slice %arg2[%add3A_78, %dma_wait3A_81] : memref<16384x2048xf32, #tpu.memory_space<hbm>> -> memref<16x2048xf32, #tpu.memory_space<hbm>>
      tpu.wait_dma2 semaphore(%arg11 : memref<!tpu.dma_semaphore, #tpu.memory_space<semaphore_mem>>) src(%dma_wait3A_82 : memref<16x2048xf32, #tpu.memory_space<hbm>>) dst(%arg7 : memref<16x2048xf32, #tpu.memory_space<vmem>>)
      %ge3A_83 = arith.constant 2 : i32
      %ge3A_84 = arith.cmpi sge, %mul3A_75, %ge3A_83 : i32
      %convert_element_type3A_85 = arith.extui %ge3A_84 : i1 to i32
      %cond3A_86 = arith.constant 0 : i32
      %cond3A_87 = arith.cmpi ne, %convert_element_type3A_85, %cond3A_86 : i32
      scf.if %cond3A_87 {
        %sub3A = arith.constant 2 : i32
        %sub3A_114 = arith.subi %mul3A_75, %sub3A : i32
        %mul3A_115 = arith.constant 8 : i32
        %mul3A_116 = arith.muli %sub3A_114, %mul3A_115 : i32
        %add3A_117 = arith.addi %mul3A_2, %mul3A_116 : i32
        %dma_wait3A_118 = arith.constant 0 : i32
        %dma_wait3A_119 = tpu.memref_slice %arg4[%add3A_117, %dma_wait3A_118] : memref<16384x2048xf32, #tpu.memory_space<hbm>> -> memref<8x2048xf32, #tpu.memory_space<hbm>>
        %dma_wait3A_120 = arith.constant 0 : i32
        %dma_wait3A_121 = tpu.memref_slice %arg4[%add3A_117, %dma_wait3A_120] : memref<16384x2048xf32, #tpu.memory_space<hbm>> -> memref<8x2048xf32, #tpu.memory_space<hbm>>
        tpu.wait_dma2 semaphore(%arg12 : memref<!tpu.dma_semaphore, #tpu.memory_space<semaphore_mem>>) src(%arg8 : memref<8x2048xf32, #tpu.memory_space<vmem>>) dst(%dma_wait3A_121 : memref<8x2048xf32, #tpu.memory_space<hbm>>)
        %sub3A_122 = arith.constant 1 : i32
        %sub3A_123 = arith.subi %mul3A_75, %sub3A_122 : i32
        %mul3A_124 = arith.constant 8 : i32
        %mul3A_125 = arith.muli %sub3A_123, %mul3A_124 : i32
        %add3A_126 = arith.addi %mul3A_2, %mul3A_125 : i32
        %dma_wait3A_127 = arith.constant 0 : i32
        %dma_wait3A_128 = tpu.memref_slice %arg4[%add3A_126, %dma_wait3A_127] : memref<16384x2048xf32, #tpu.memory_space<hbm>> -> memref<8x2048xf32, #tpu.memory_space<hbm>>
        %dma_wait3A_129 = arith.constant 0 : i32
        %dma_wait3A_130 = tpu.memref_slice %arg4[%add3A_126, %dma_wait3A_129] : memref<16384x2048xf32, #tpu.memory_space<hbm>> -> memref<8x2048xf32, #tpu.memory_space<hbm>>
        tpu.wait_dma2 semaphore(%arg13 : memref<!tpu.dma_semaphore, #tpu.memory_space<semaphore_mem>>) src(%arg9 : memref<8x2048xf32, #tpu.memory_space<vmem>>) dst(%dma_wait3A_130 : memref<8x2048xf32, #tpu.memory_space<hbm>>)
      } else {
      }
      %parallel_loop3A_88 = arith.constant 0 : i32
      %parallel_loop3A_89 = arith.constant 128 : i32
      %parallel_loop3A_90 = arith.constant 1 : i32
      scf.for %parallel_loop3A_114 = %parallel_loop3A_88 to %parallel_loop3A_89 step %parallel_loop3A_90  : i32 {
        %parallel_loop3A_115 = arith.constant 16 : i32
        %parallel_loop3A_116 = arith.muli %parallel_loop3A_114, %parallel_loop3A_115 : i32
        %parallel_loop3A_117 = arith.index_cast %parallel_loop3A_116 : i32 to index
        %parallel_loop3A_118 = tpu.vector_load %arg5[%parallel_loop3A_117] {strides = array<i32>} : memref<2048xi32, #tpu.memory_space<vmem>>, vector<16xi32>,
        %parallel_loop3A_119 = arith.constant 0 : i32
        %parallel_loop3A_120 = vector.broadcast %parallel_loop3A_119 : i32 to vector<16xi32>
        %parallel_loop3A_121 = tpu.vector_load_idx %arg7[%parallel_loop3A_120, %parallel_loop3A_118] : memref<16x2048xf32, #tpu.memory_space<vmem>>[vector<16xi32>, vector<16xi32>], vector<16xf32>,
        %parallel_loop3A_122 = arith.constant 16 : i32
        %parallel_loop3A_123 = arith.muli %parallel_loop3A_114, %parallel_loop3A_122 : i32
        %parallel_loop3A_124 = arith.constant 0 : i32
        %parallel_loop3A_125 = arith.index_cast %parallel_loop3A_124 : i32 to index
        %parallel_loop3A_126 = arith.index_cast %parallel_loop3A_123 : i32 to index
        %parallel_loop3A_127 = tpu.vector_load %arg8[%parallel_loop3A_125, %parallel_loop3A_126] {strides = array<i32>} : memref<8x2048xf32, #tpu.memory_space<vmem>>, vector<16xf32>,
        tpu.vector_store %arg8[%parallel_loop3A_125, %parallel_loop3A_126], %parallel_loop3A_121 {strides = array<i32>} : memref<8x2048xf32, #tpu.memory_space<vmem>>, vector<16xf32>,
        %parallel_loop3A_128 = arith.constant 1 : i32
        %parallel_loop3A_129 = vector.broadcast %parallel_loop3A_128 : i32 to vector<16xi32>
        %parallel_loop3A_130 = tpu.vector_load_idx %arg7[%parallel_loop3A_129, %parallel_loop3A_118] : memref<16x2048xf32, #tpu.memory_space<vmem>>[vector<16xi32>, vector<16xi32>], vector<16xf32>,
        %parallel_loop3A_131 = arith.constant 16 : i32
        %parallel_loop3A_132 = arith.muli %parallel_loop3A_114, %parallel_loop3A_131 : i32
        %parallel_loop3A_133 = arith.constant 1 : i32
        %parallel_loop3A_134 = arith.index_cast %parallel_loop3A_133 : i32 to index
        %parallel_loop3A_135 = arith.index_cast %parallel_loop3A_132 : i32 to index
        %parallel_loop3A_136 = tpu.vector_load %arg8[%parallel_loop3A_134, %parallel_loop3A_135] {strides = array<i32>} : memref<8x2048xf32, #tpu.memory_space<vmem>>, vector<16xf32>,
        tpu.vector_store %arg8[%parallel_loop3A_134, %parallel_loop3A_135], %parallel_loop3A_130 {strides = array<i32>} : memref<8x2048xf32, #tpu.memory_space<vmem>>, vector<16xf32>,
        %parallel_loop3A_137 = arith.constant 2 : i32
        %parallel_loop3A_138 = vector.broadcast %parallel_loop3A_137 : i32 to vector<16xi32>
        %parallel_loop3A_139 = tpu.vector_load_idx %arg7[%parallel_loop3A_138, %parallel_loop3A_118] : memref<16x2048xf32, #tpu.memory_space<vmem>>[vector<16xi32>, vector<16xi32>], vector<16xf32>,
        %parallel_loop3A_140 = arith.constant 16 : i32
        %parallel_loop3A_141 = arith.muli %parallel_loop3A_114, %parallel_loop3A_140 : i32
        %parallel_loop3A_142 = arith.constant 2 : i32
        %parallel_loop3A_143 = arith.index_cast %parallel_loop3A_142 : i32 to index
        %parallel_loop3A_144 = arith.index_cast %parallel_loop3A_141 : i32 to index
        %parallel_loop3A_145 = tpu.vector_load %arg8[%parallel_loop3A_143, %parallel_loop3A_144] {strides = array<i32>} : memref<8x2048xf32, #tpu.memory_space<vmem>>, vector<16xf32>,
        tpu.vector_store %arg8[%parallel_loop3A_143, %parallel_loop3A_144], %parallel_loop3A_139 {strides = array<i32>} : memref<8x2048xf32, #tpu.memory_space<vmem>>, vector<16xf32>,
        %parallel_loop3A_146 = arith.constant 3 : i32
        %parallel_loop3A_147 = vector.broadcast %parallel_loop3A_146 : i32 to vector<16xi32>
        %parallel_loop3A_148 = tpu.vector_load_idx %arg7[%parallel_loop3A_147, %parallel_loop3A_118] : memref<16x2048xf32, #tpu.memory_space<vmem>>[vector<16xi32>, vector<16xi32>], vector<16xf32>,
        %parallel_loop3A_149 = arith.constant 16 : i32
        %parallel_loop3A_150 = arith.muli %parallel_loop3A_114, %parallel_loop3A_149 : i32
        %parallel_loop3A_151 = arith.constant 3 : i32
        %parallel_loop3A_152 = arith.index_cast %parallel_loop3A_151 : i32 to index
        %parallel_loop3A_153 = arith.index_cast %parallel_loop3A_150 : i32 to index
        %parallel_loop3A_154 = tpu.vector_load %arg8[%parallel_loop3A_152, %parallel_loop3A_153] {strides = array<i32>} : memref<8x2048xf32, #tpu.memory_space<vmem>>, vector<16xf32>,
        tpu.vector_store %arg8[%parallel_loop3A_152, %parallel_loop3A_153], %parallel_loop3A_148 {strides = array<i32>} : memref<8x2048xf32, #tpu.memory_space<vmem>>, vector<16xf32>,
        %parallel_loop3A_155 = arith.constant 4 : i32
        %parallel_loop3A_156 = vector.broadcast %parallel_loop3A_155 : i32 to vector<16xi32>
        %parallel_loop3A_157 = tpu.vector_load_idx %arg7[%parallel_loop3A_156, %parallel_loop3A_118] : memref<16x2048xf32, #tpu.memory_space<vmem>>[vector<16xi32>, vector<16xi32>], vector<16xf32>,
        %parallel_loop3A_158 = arith.constant 16 : i32
        %parallel_loop3A_159 = arith.muli %parallel_loop3A_114, %parallel_loop3A_158 : i32
        %parallel_loop3A_160 = arith.constant 4 : i32
        %parallel_loop3A_161 = arith.index_cast %parallel_loop3A_160 : i32 to index
        %parallel_loop3A_162 = arith.index_cast %parallel_loop3A_159 : i32 to index
        %parallel_loop3A_163 = tpu.vector_load %arg8[%parallel_loop3A_161, %parallel_loop3A_162] {strides = array<i32>} : memref<8x2048xf32, #tpu.memory_space<vmem>>, vector<16xf32>,
        tpu.vector_store %arg8[%parallel_loop3A_161, %parallel_loop3A_162], %parallel_loop3A_157 {strides = array<i32>} : memref<8x2048xf32, #tpu.memory_space<vmem>>, vector<16xf32>,
        %parallel_loop3A_164 = arith.constant 5 : i32
        %parallel_loop3A_165 = vector.broadcast %parallel_loop3A_164 : i32 to vector<16xi32>
        %parallel_loop3A_166 = tpu.vector_load_idx %arg7[%parallel_loop3A_165, %parallel_loop3A_118] : memref<16x2048xf32, #tpu.memory_space<vmem>>[vector<16xi32>, vector<16xi32>], vector<16xf32>,
        %parallel_loop3A_167 = arith.constant 16 : i32
        %parallel_loop3A_168 = arith.muli %parallel_loop3A_114, %parallel_loop3A_167 : i32
        %parallel_loop3A_169 = arith.constant 5 : i32
        %parallel_loop3A_170 = arith.index_cast %parallel_loop3A_169 : i32 to index
        %parallel_loop3A_171 = arith.index_cast %parallel_loop3A_168 : i32 to index
        %parallel_loop3A_172 = tpu.vector_load %arg8[%parallel_loop3A_170, %parallel_loop3A_171] {strides = array<i32>} : memref<8x2048xf32, #tpu.memory_space<vmem>>, vector<16xf32>,
        tpu.vector_store %arg8[%parallel_loop3A_170, %parallel_loop3A_171], %parallel_loop3A_166 {strides = array<i32>} : memref<8x2048xf32, #tpu.memory_space<vmem>>, vector<16xf32>,
        %parallel_loop3A_173 = arith.constant 6 : i32
        %parallel_loop3A_174 = vector.broadcast %parallel_loop3A_173 : i32 to vector<16xi32>
        %parallel_loop3A_175 = tpu.vector_load_idx %arg7[%parallel_loop3A_174, %parallel_loop3A_118] : memref<16x2048xf32, #tpu.memory_space<vmem>>[vector<16xi32>, vector<16xi32>], vector<16xf32>,
        %parallel_loop3A_176 = arith.constant 16 : i32
        %parallel_loop3A_177 = arith.muli %parallel_loop3A_114, %parallel_loop3A_176 : i32
        %parallel_loop3A_178 = arith.constant 6 : i32
        %parallel_loop3A_179 = arith.index_cast %parallel_loop3A_178 : i32 to index
        %parallel_loop3A_180 = arith.index_cast %parallel_loop3A_177 : i32 to index
        %parallel_loop3A_181 = tpu.vector_load %arg8[%parallel_loop3A_179, %parallel_loop3A_180] {strides = array<i32>} : memref<8x2048xf32, #tpu.memory_space<vmem>>, vector<16xf32>,
        tpu.vector_store %arg8[%parallel_loop3A_179, %parallel_loop3A_180], %parallel_loop3A_175 {strides = array<i32>} : memref<8x2048xf32, #tpu.memory_space<vmem>>, vector<16xf32>,
        %parallel_loop3A_182 = arith.constant 7 : i32
        %parallel_loop3A_183 = vector.broadcast %parallel_loop3A_182 : i32 to vector<16xi32>
        %parallel_loop3A_184 = tpu.vector_load_idx %arg7[%parallel_loop3A_183, %parallel_loop3A_118] : memref<16x2048xf32, #tpu.memory_space<vmem>>[vector<16xi32>, vector<16xi32>], vector<16xf32>,
        %parallel_loop3A_185 = arith.constant 16 : i32
        %parallel_loop3A_186 = arith.muli %parallel_loop3A_114, %parallel_loop3A_185 : i32
        %parallel_loop3A_187 = arith.constant 7 : i32
        %parallel_loop3A_188 = arith.index_cast %parallel_loop3A_187 : i32 to index
        %parallel_loop3A_189 = arith.index_cast %parallel_loop3A_186 : i32 to index
        %parallel_loop3A_190 = tpu.vector_load %arg8[%parallel_loop3A_188, %parallel_loop3A_189] {strides = array<i32>} : memref<8x2048xf32, #tpu.memory_space<vmem>>, vector<16xf32>,
        tpu.vector_store %arg8[%parallel_loop3A_188, %parallel_loop3A_189], %parallel_loop3A_184 {strides = array<i32>} : memref<8x2048xf32, #tpu.memory_space<vmem>>, vector<16xf32>,
        %parallel_loop3A_191 = arith.constant 8 : i32
        %parallel_loop3A_192 = vector.broadcast %parallel_loop3A_191 : i32 to vector<16xi32>
        %parallel_loop3A_193 = tpu.vector_load_idx %arg7[%parallel_loop3A_192, %parallel_loop3A_118] : memref<16x2048xf32, #tpu.memory_space<vmem>>[vector<16xi32>, vector<16xi32>], vector<16xf32>,
        %parallel_loop3A_194 = arith.constant 16 : i32
        %parallel_loop3A_195 = arith.muli %parallel_loop3A_114, %parallel_loop3A_194 : i32
        %parallel_loop3A_196 = arith.constant 0 : i32
        %parallel_loop3A_197 = arith.index_cast %parallel_loop3A_196 : i32 to index
        %parallel_loop3A_198 = arith.index_cast %parallel_loop3A_195 : i32 to index
        %parallel_loop3A_199 = tpu.vector_load %arg9[%parallel_loop3A_197, %parallel_loop3A_198] {strides = array<i32>} : memref<8x2048xf32, #tpu.memory_space<vmem>>, vector<16xf32>,
        tpu.vector_store %arg9[%parallel_loop3A_197, %parallel_loop3A_198], %parallel_loop3A_193 {strides = array<i32>} : memref<8x2048xf32, #tpu.memory_space<vmem>>, vector<16xf32>,
        %parallel_loop3A_200 = arith.constant 9 : i32
        %parallel_loop3A_201 = vector.broadcast %parallel_loop3A_200 : i32 to vector<16xi32>
        %parallel_loop3A_202 = tpu.vector_load_idx %arg7[%parallel_loop3A_201, %parallel_loop3A_118] : memref<16x2048xf32, #tpu.memory_space<vmem>>[vector<16xi32>, vector<16xi32>], vector<16xf32>,
        %parallel_loop3A_203 = arith.constant 16 : i32
        %parallel_loop3A_204 = arith.muli %parallel_loop3A_114, %parallel_loop3A_203 : i32
        %parallel_loop3A_205 = arith.constant 1 : i32
        %parallel_loop3A_206 = arith.index_cast %parallel_loop3A_205 : i32 to index
        %parallel_loop3A_207 = arith.index_cast %parallel_loop3A_204 : i32 to index
        %parallel_loop3A_208 = tpu.vector_load %arg9[%parallel_loop3A_206, %parallel_loop3A_207] {strides = array<i32>} : memref<8x2048xf32, #tpu.memory_space<vmem>>, vector<16xf32>,
        tpu.vector_store %arg9[%parallel_loop3A_206, %parallel_loop3A_207], %parallel_loop3A_202 {strides = array<i32>} : memref<8x2048xf32, #tpu.memory_space<vmem>>, vector<16xf32>,
        %parallel_loop3A_209 = arith.constant 10 : i32
        %parallel_loop3A_210 = vector.broadcast %parallel_loop3A_209 : i32 to vector<16xi32>
        %parallel_loop3A_211 = tpu.vector_load_idx %arg7[%parallel_loop3A_210, %parallel_loop3A_118] : memref<16x2048xf32, #tpu.memory_space<vmem>>[vector<16xi32>, vector<16xi32>], vector<16xf32>,
        %parallel_loop3A_212 = arith.constant 16 : i32
        %parallel_loop3A_213 = arith.muli %parallel_loop3A_114, %parallel_loop3A_212 : i32
        %parallel_loop3A_214 = arith.constant 2 : i32
        %parallel_loop3A_215 = arith.index_cast %parallel_loop3A_214 : i32 to index
        %parallel_loop3A_216 = arith.index_cast %parallel_loop3A_213 : i32 to index
        %parallel_loop3A_217 = tpu.vector_load %arg9[%parallel_loop3A_215, %parallel_loop3A_216] {strides = array<i32>} : memref<8x2048xf32, #tpu.memory_space<vmem>>, vector<16xf32>,
        tpu.vector_store %arg9[%parallel_loop3A_215, %parallel_loop3A_216], %parallel_loop3A_211 {strides = array<i32>} : memref<8x2048xf32, #tpu.memory_space<vmem>>, vector<16xf32>,
        %parallel_loop3A_218 = arith.constant 11 : i32
        %parallel_loop3A_219 = vector.broadcast %parallel_loop3A_218 : i32 to vector<16xi32>
        %parallel_loop3A_220 = tpu.vector_load_idx %arg7[%parallel_loop3A_219, %parallel_loop3A_118] : memref<16x2048xf32, #tpu.memory_space<vmem>>[vector<16xi32>, vector<16xi32>], vector<16xf32>,
        %parallel_loop3A_221 = arith.constant 16 : i32
        %parallel_loop3A_222 = arith.muli %parallel_loop3A_114, %parallel_loop3A_221 : i32
        %parallel_loop3A_223 = arith.constant 3 : i32
        %parallel_loop3A_224 = arith.index_cast %parallel_loop3A_223 : i32 to index
        %parallel_loop3A_225 = arith.index_cast %parallel_loop3A_222 : i32 to index
        %parallel_loop3A_226 = tpu.vector_load %arg9[%parallel_loop3A_224, %parallel_loop3A_225] {strides = array<i32>} : memref<8x2048xf32, #tpu.memory_space<vmem>>, vector<16xf32>,
        tpu.vector_store %arg9[%parallel_loop3A_224, %parallel_loop3A_225], %parallel_loop3A_220 {strides = array<i32>} : memref<8x2048xf32, #tpu.memory_space<vmem>>, vector<16xf32>,
        %parallel_loop3A_227 = arith.constant 12 : i32
        %parallel_loop3A_228 = vector.broadcast %parallel_loop3A_227 : i32 to vector<16xi32>
        %parallel_loop3A_229 = tpu.vector_load_idx %arg7[%parallel_loop3A_228, %parallel_loop3A_118] : memref<16x2048xf32, #tpu.memory_space<vmem>>[vector<16xi32>, vector<16xi32>], vector<16xf32>,
        %parallel_loop3A_230 = arith.constant 16 : i32
        %parallel_loop3A_231 = arith.muli %parallel_loop3A_114, %parallel_loop3A_230 : i32
        %parallel_loop3A_232 = arith.constant 4 : i32
        %parallel_loop3A_233 = arith.index_cast %parallel_loop3A_232 : i32 to index
        %parallel_loop3A_234 = arith.index_cast %parallel_loop3A_231 : i32 to index
        %parallel_loop3A_235 = tpu.vector_load %arg9[%parallel_loop3A_233, %parallel_loop3A_234] {strides = array<i32>} : memref<8x2048xf32, #tpu.memory_space<vmem>>, vector<16xf32>,
        tpu.vector_store %arg9[%parallel_loop3A_233, %parallel_loop3A_234], %parallel_loop3A_229 {strides = array<i32>} : memref<8x2048xf32, #tpu.memory_space<vmem>>, vector<16xf32>,
        %parallel_loop3A_236 = arith.constant 13 : i32
        %parallel_loop3A_237 = vector.broadcast %parallel_loop3A_236 : i32 to vector<16xi32>
        %parallel_loop3A_238 = tpu.vector_load_idx %arg7[%parallel_loop3A_237, %parallel_loop3A_118] : memref<16x2048xf32, #tpu.memory_space<vmem>>[vector<16xi32>, vector<16xi32>], vector<16xf32>,
        %parallel_loop3A_239 = arith.constant 16 : i32
        %parallel_loop3A_240 = arith.muli %parallel_loop3A_114, %parallel_loop3A_239 : i32
        %parallel_loop3A_241 = arith.constant 5 : i32
        %parallel_loop3A_242 = arith.index_cast %parallel_loop3A_241 : i32 to index
        %parallel_loop3A_243 = arith.index_cast %parallel_loop3A_240 : i32 to index
        %parallel_loop3A_244 = tpu.vector_load %arg9[%parallel_loop3A_242, %parallel_loop3A_243] {strides = array<i32>} : memref<8x2048xf32, #tpu.memory_space<vmem>>, vector<16xf32>,
        tpu.vector_store %arg9[%parallel_loop3A_242, %parallel_loop3A_243], %parallel_loop3A_238 {strides = array<i32>} : memref<8x2048xf32, #tpu.memory_space<vmem>>, vector<16xf32>,
        %parallel_loop3A_245 = arith.constant 14 : i32
        %parallel_loop3A_246 = vector.broadcast %parallel_loop3A_245 : i32 to vector<16xi32>
        %parallel_loop3A_247 = tpu.vector_load_idx %arg7[%parallel_loop3A_246, %parallel_loop3A_118] : memref<16x2048xf32, #tpu.memory_space<vmem>>[vector<16xi32>, vector<16xi32>], vector<16xf32>,
        %parallel_loop3A_248 = arith.constant 16 : i32
        %parallel_loop3A_249 = arith.muli %parallel_loop3A_114, %parallel_loop3A_248 : i32
        %parallel_loop3A_250 = arith.constant 6 : i32
        %parallel_loop3A_251 = arith.index_cast %parallel_loop3A_250 : i32 to index
        %parallel_loop3A_252 = arith.index_cast %parallel_loop3A_249 : i32 to index
        %parallel_loop3A_253 = tpu.vector_load %arg9[%parallel_loop3A_251, %parallel_loop3A_252] {strides = array<i32>} : memref<8x2048xf32, #tpu.memory_space<vmem>>, vector<16xf32>,
        tpu.vector_store %arg9[%parallel_loop3A_251, %parallel_loop3A_252], %parallel_loop3A_247 {strides = array<i32>} : memref<8x2048xf32, #tpu.memory_space<vmem>>, vector<16xf32>,
        %parallel_loop3A_254 = arith.constant 15 : i32
        %parallel_loop3A_255 = vector.broadcast %parallel_loop3A_254 : i32 to vector<16xi32>
        %parallel_loop3A_256 = tpu.vector_load_idx %arg7[%parallel_loop3A_255, %parallel_loop3A_118] : memref<16x2048xf32, #tpu.memory_space<vmem>>[vector<16xi32>, vector<16xi32>], vector<16xf32>,
        %parallel_loop3A_257 = arith.constant 16 : i32
        %parallel_loop3A_258 = arith.muli %parallel_loop3A_114, %parallel_loop3A_257 : i32
        %parallel_loop3A_259 = arith.constant 7 : i32
        %parallel_loop3A_260 = arith.index_cast %parallel_loop3A_259 : i32 to index
        %parallel_loop3A_261 = arith.index_cast %parallel_loop3A_258 : i32 to index
        %parallel_loop3A_262 = tpu.vector_load %arg9[%parallel_loop3A_260, %parallel_loop3A_261] {strides = array<i32>} : memref<8x2048xf32, #tpu.memory_space<vmem>>, vector<16xf32>,
        tpu.vector_store %arg9[%parallel_loop3A_260, %parallel_loop3A_261], %parallel_loop3A_256 {strides = array<i32>} : memref<8x2048xf32, #tpu.memory_space<vmem>>, vector<16xf32>,
      } {sc.loop_unroll_factor = 4 : i64, sc.parallel_access}
      %mul3A_91 = arith.constant 8 : i32
      %mul3A_92 = arith.muli %mul3A_75, %mul3A_91 : i32
      %add3A_93 = arith.addi %mul3A_2, %mul3A_92 : i32
      %dma_start3A_94 = arith.constant 0 : i32
      %dma_start3A_95 = tpu.memref_slice %arg4[%add3A_93, %dma_start3A_94] : memref<16384x2048xf32, #tpu.memory_space<hbm>> -> memref<8x2048xf32, #tpu.memory_space<hbm>>
      %dma_start3A_96 = arith.constant 0 : i32
      %dma_start3A_97 = tpu.memref_slice %arg4[%add3A_93, %dma_start3A_96] : memref<16384x2048xf32, #tpu.memory_space<hbm>> -> memref<8x2048xf32, #tpu.memory_space<hbm>>
      tpu.enqueue_dma source(%arg8 : memref<8x2048xf32, #tpu.memory_space<vmem>>) target(%dma_start3A_97 : memref<8x2048xf32, #tpu.memory_space<hbm>>) target_semaphore(%arg12 : memref<!tpu.dma_semaphore, #tpu.memory_space<semaphore_mem>>)
      %add3A_98 = arith.constant 1 : i32
      %add3A_99 = arith.addi %mul3A_75, %add3A_98 : i32
      %mul3A_100 = arith.constant 8 : i32
      %mul3A_101 = arith.muli %add3A_99, %mul3A_100 : i32
      %add3A_102 = arith.addi %mul3A_2, %mul3A_101 : i32
      %dma_start3A_103 = arith.constant 0 : i32
      %dma_start3A_104 = tpu.memref_slice %arg4[%add3A_102, %dma_start3A_103] : memref<16384x2048xf32, #tpu.memory_space<hbm>> -> memref<8x2048xf32, #tpu.memory_space<hbm>>
      %dma_start3A_105 = arith.constant 0 : i32
      %dma_start3A_106 = tpu.memref_slice %arg4[%add3A_102, %dma_start3A_105] : memref<16384x2048xf32, #tpu.memory_space<hbm>> -> memref<8x2048xf32, #tpu.memory_space<hbm>>
      tpu.enqueue_dma source(%arg9 : memref<8x2048xf32, #tpu.memory_space<vmem>>) target(%dma_start3A_106 : memref<8x2048xf32, #tpu.memory_space<hbm>>) target_semaphore(%arg13 : memref<!tpu.dma_semaphore, #tpu.memory_space<semaphore_mem>>)
      %add3A_107 = arith.constant 2 : i32
      %add3A_108 = arith.addi %add3A_73, %add3A_107 : i32
      %lt3A_109 = arith.constant 32 : i32
      %lt3A_110 = arith.cmpi slt, %add3A_108, %lt3A_109 : i32
      %convert_element_type3A_111 = arith.extui %lt3A_110 : i1 to i32
      %cond3A_112 = arith.constant 0 : i32
      %cond3A_113 = arith.cmpi ne, %convert_element_type3A_111, %cond3A_112 : i32
      scf.if %cond3A_113 {
        %add3A_114 = arith.constant 2 : i32
        %add3A_115 = arith.addi %add3A_73, %add3A_114 : i32
        %mul3A_116 = arith.constant 16 : i32
        %mul3A_117 = arith.muli %add3A_115, %mul3A_116 : i32
        %add3A_118 = arith.addi %mul3A_2, %mul3A_117 : i32
        %dma_start3A_119 = arith.constant 0 : i32
        %dma_start3A_120 = tpu.memref_slice %arg2[%add3A_118, %dma_start3A_119] : memref<16384x2048xf32, #tpu.memory_space<hbm>> -> memref<16x2048xf32, #tpu.memory_space<hbm>>
        %dma_start3A_121 = arith.constant 0 : i32
        %dma_start3A_122 = tpu.memref_slice %arg2[%add3A_118, %dma_start3A_121] : memref<16384x2048xf32, #tpu.memory_space<hbm>> -> memref<16x2048xf32, #tpu.memory_space<hbm>>
        tpu.enqueue_dma source(%dma_start3A_122 : memref<16x2048xf32, #tpu.memory_space<hbm>>) target(%arg7 : memref<16x2048xf32, #tpu.memory_space<vmem>>) target_semaphore(%arg11 : memref<!tpu.dma_semaphore, #tpu.memory_space<semaphore_mem>>)
      } else {
      }
    }
    %scan3A_18 = arith.constant 16 : i32
    %add3A_19 = arith.constant 496 : i32
    %add3A_20 = arith.addi %mul3A_2, %add3A_19 : i32
    %dma_wait3A = arith.constant 0 : i32
    %dma_wait3A_21 = tpu.memref_slice %arg4[%add3A_20, %dma_wait3A] : memref<16384x2048xf32, #tpu.memory_space<hbm>> -> memref<8x2048xf32, #tpu.memory_space<hbm>>
    %dma_wait3A_22 = arith.constant 0 : i32
    %dma_wait3A_23 = tpu.memref_slice %arg4[%add3A_20, %dma_wait3A_22] : memref<16384x2048xf32, #tpu.memory_space<hbm>> -> memref<8x2048xf32, #tpu.memory_space<hbm>>
    tpu.wait_dma2 semaphore(%arg12 : memref<!tpu.dma_semaphore, #tpu.memory_space<semaphore_mem>>) src(%arg8 : memref<8x2048xf32, #tpu.memory_space<vmem>>) dst(%dma_wait3A_23 : memref<8x2048xf32, #tpu.memory_space<hbm>>)
    %add3A_24 = arith.constant 504 : i32
    %add3A_25 = arith.addi %mul3A_2, %add3A_24 : i32
    %dma_wait3A_26 = arith.constant 0 : i32
    %dma_wait3A_27 = tpu.memref_slice %arg4[%add3A_25, %dma_wait3A_26] : memref<16384x2048xf32, #tpu.memory_space<hbm>> -> memref<8x2048xf32, #tpu.memory_space<hbm>>
    %dma_wait3A_28 = arith.constant 0 : i32
    %dma_wait3A_29 = tpu.memref_slice %arg4[%add3A_25, %dma_wait3A_28] : memref<16384x2048xf32, #tpu.memory_space<hbm>> -> memref<8x2048xf32, #tpu.memory_space<hbm>>
    tpu.wait_dma2 semaphore(%arg13 : memref<!tpu.dma_semaphore, #tpu.memory_space<semaphore_mem>>) src(%arg9 : memref<8x2048xf32, #tpu.memory_space<vmem>>) dst(%dma_wait3A_29 : memref<8x2048xf32, #tpu.memory_space<hbm>>)
    return
  }
}

</mosaic_0001>

<sc_bundles>
// kernel: kernel.3.cloned.1.call-start
scs
__scs_entry_jumppad:
0x0: {  	(pc) =	sbr.rel $0x88, $3  }
0x1: {  	(tag) =	ssettag $0x0;
	lr =	simm.s32 $0x1  }
0x2: {  	[smem:$0x3F9F] =	sst lr;
	_ =	strace $0xD0000000  }
0x3: {  	_ = 	snop  }
0x4: {  	_ = 	snop  }
0x5: {  	_ = 	snop  }
0x6: {  	_ = 	snop  }
0x7: {  	_ = 	snop  }
__scs_overlays_trampoline_lowered:
0x8: {  	[smem:$0x3FAE] =	sst s0  }
0x9: {  	[smem:$0x3FAF] =	sst s1  }
0xa: {  	[smem:$0x3FB0] =	sst s2  }
0xb: {  	[smem:$0x3FB1] =	sst s3  }
0xc: {  	[smem:$0x3FB2] =	sst s4  }
0xd: {  	[smem:$0x3FB3] =	sst s5  }
0xe: {  	[smem:$0x3FB4] =	sst s6  }
0xf: {  	[smem:$0x3FB5] =	sst s7  }
0x10: {  	[smem:$0x3FB6] =	sst s8  }
0x11: {  	[smem:$0x3FB7] =	sst s9;
	s0 =	simm.s32 @!p0 $0x0  }
0x12: {  	s1 =	sld [smem:$0x3F9D];
	s0 =	simm.s32 @p0 $0x1  }
0x13: {  	[smem:$0x3FB8] =	sst s0;
	s0 =	simm.s32 @!p1 $0x0  }
0x14: {  	s2 =	sld [smem:$0x3F9C];
	s0 =	simm.s32 @p1 $0x1  }
0x15: {  	[smem:$0x3FB9] =	sst s0;
	s0 =	simm.s32 @!p2 $0x0  }
0x16: {  	s3 =	sld [smem:$0x3FDB];
	s0 =	simm.s32 @p2 $0x1  }
0x17: {  	s4 =	simm.s32 $0x1BF5;
	[smem:$0x3FBB] =	sst s0  }
0x18: {  	s0 =	sld [smem:$0x3F9E];
	_ =	swait.ge [sflag:s4], $0x0  }
0x19: {  	s7 =	sld [smem:$0x3F9F]  }
0x1a: {  	s8 =	sadd.s32 $0xFFFFE003, lr  }
0x1b: {  	s9 =	sadd.s32 $0xFFFFFEF7, lr;
	s5 =	simm.s32 $0xFFFFFFFF;
	p2 =	slt.u32 s8, $0xFFFFF086  }
0x1c: {  	p1 =	slt.u32 s9, $0xF7A;
	s5 =	simm.s32 @!p2 $0x0  }
0x1d: {  	s5 =	simm.s32 @p1 $0x1;
	p0 =	seq.s32 s7, s2  }
0x1e: {  	s7 =	smul.u32 @!p0 $0xF7A, s2;
	p2 =	seq.s32 @!p0 s5, $0x0  }
0x1f: {  	s9 =	smul.u32 $0xF7A, s1;
	s8 =	simm.s32 @!p0 $0x1BF5;
	p2 =	por !p2, p0  }
0x20: {  	[sflag:s8] =	ssyncset.s32 @!p0 $0xFFFFF086;
	s6 =	sadd.s32 @!p0 s3, s7;
	s7 =	simm.s32 @!p0 $0x108  }
0x21: {  	s3 =	sadd.s32 s3, s9;
	s6 =	sadd.s32 @!p0 $0x88, s6;
	s7 =	simm.s32 @p2 $0x1082  }
0x22: {  	[simem:s7], [sflag:s8] =	dma.local @!p0 [hbm:s6], $0xF7A  }
0x23: {  	s9 =	sor.u32 $0xD0000000, s2;
	s6 =	simm.s32 $0x108;
	_ =	swait.ge @!p0 [sflag:s8], $0x0  }
0x24: {  	s3 =	sadd.s32 $0x88, s3;
	s6 =	simm.s32 @!p1 $0x1082;
	[sflag:s4] =	ssyncset.s32 $0xFFFFF086  }
0x25: {  	[simem:s6], [sflag:s4] =	dma.local [hbm:s3], $0xF7A  }
0x26: {  	[smem:$0x3F9F] =	sst s1;
	(tag) =	ssettag s2;
	_ =	strace s9  }
0x27: {  	s1 =	sld [smem:$0x3FAF]  }
0x28: {  	s2 =	sld [smem:$0x3FB0]  }
0x29: {  	s4 =	sld [smem:$0x3FB2]  }
0x2a: {  	p0 =	seq.s32 s5, $0x0;
	s5 =	sld [smem:$0x3FB3]  }
0x2b: {  	s6 =	sld [smem:$0x3FB4]  }
0x2c: {  	s7 =	sld [smem:$0x3FB5]  }
0x2d: {  	s3 =	simm.s32 $0x108;
	s8 =	sld [smem:$0x3FB6]  }
0x2e: {  	s3 =	simm.s32 @!p0 $0x1082;
	s9 =	sld [smem:$0x3FB7]  }
0x2f: {  	lr =	sadd.s32 s0, s3;
	s0 =	sld [smem:$0x3FAE]  }
0x30: {  	s3 =	sld [smem:$0x3FB1]  }
0x31: {  	[smem:$0x3FBA] =	sst s10  }
0x32: {  	s10 =	sld [smem:$0x3FB8];
	_ =	sdelay $0x3  }
0x33: {  	p0 =	seq.s32 s10, $0x1;
	s10 =	sld [smem:$0x3FBA];
	_ =	sdelay $0x3  }
0x34: {  	[smem:$0x3FBA] =	sst s10  }
0x35: {  	s10 =	sld [smem:$0x3FB9];
	_ =	sdelay $0x3  }
0x36: {  	p1 =	seq.s32 s10, $0x1;
	s10 =	sld [smem:$0x3FBA];
	_ =	sdelay $0x3  }
0x37: {  	[smem:$0x3FBA] =	sst s10  }
0x38: {  	s10 =	sld [smem:$0x3FBB]  }
0x39: {  	_ = 	snop;
	(pc) =	sbr.ind lr, $3  }
0x3a: {  	_ = 	snop  }
0x3b: {  	_ = 	snop  }
0x3c: {  	p2 =	seq.s32 s10, $0x1;
	s10 =	sld [smem:$0x3FBA]  }
0x3d: {  	_ =	shalt  }
0x3e: {  	_ =	shalt  }
0x3f: {  	_ =	shalt  }
0x40: {  	_ =	shalt  }
0x41: {  	_ =	shalt  }
0x42: {  	_ =	shalt  }
0x43: {  	_ =	shalt  }
0x44: {  	_ =	shalt  }
0x45: {  	_ =	shalt  }
0x46: {  	_ =	shalt  }
0x47: {  	_ =	shalt  }
0x48: {  	_ =	shalt  }
0x49: {  	_ =	shalt  }
0x4a: {  	_ =	shalt  }
0x4b: {  	_ =	shalt  }
0x4c: {  	_ =	shalt  }
0x4d: {  	_ =	shalt  }
0x4e: {  	_ =	shalt  }
0x4f: {  	_ =	shalt  }
0x50: {  	_ =	shalt  }
0x51: {  	_ =	shalt  }
0x52: {  	_ =	shalt  }
0x53: {  	_ =	shalt  }
0x54: {  	_ =	shalt  }
0x55: {  	_ =	shalt  }
0x56: {  	_ =	shalt  }
0x57: {  	_ =	shalt  }
0x58: {  	_ =	shalt  }
0x59: {  	_ =	shalt  }
0x5a: {  	_ =	shalt  }
0x5b: {  	_ =	shalt  }
0x5c: {  	_ =	shalt  }
0x5d: {  	_ =	shalt  }
0x5e: {  	_ =	shalt  }
0x5f: {  	_ =	shalt  }
0x60: {  	_ =	shalt  }
0x61: {  	_ =	shalt  }
0x62: {  	_ =	shalt  }
0x63: {  	_ =	shalt  }
0x64: {  	_ =	shalt  }
0x65: {  	_ =	shalt  }
0x66: {  	_ =	shalt  }
0x67: {  	_ =	shalt  }
0x68: {  	_ =	shalt  }
0x69: {  	_ =	shalt  }
0x6a: {  	_ =	shalt  }
0x6b: {  	_ =	shalt  }
0x6c: {  	_ =	shalt  }
0x6d: {  	_ =	shalt  }
0x6e: {  	_ =	shalt  }
0x6f: {  	_ =	shalt  }
0x70: {  	_ =	shalt  }
0x71: {  	_ =	shalt  }
0x72: {  	_ =	shalt  }
0x73: {  	_ =	shalt  }
0x74: {  	_ =	shalt  }
0x75: {  	_ =	shalt  }
0x76: {  	_ =	shalt  }
0x77: {  	_ =	shalt  }
0x78: {  	_ =	shalt  }
0x79: {  	_ =	shalt  }
0x7a: {  	_ =	shalt  }
0x7b: {  	_ =	shalt  }
0x7c: {  	_ =	shalt  }
0x7d: {  	_ =	shalt  }
0x7e: {  	_ =	shalt  }
0x7f: {  	_ =	shalt  }
0x80: {  	_ =	shalt  }
0x81: {  	_ =	shalt  }
0x82: {  	_ =	shalt  }
0x83: {  	_ =	shalt  }
0x84: {  	_ =	shalt  }
0x85: {  	_ =	shalt  }
0x86: {  	_ =	shalt  }
0x87: {  	_ =	shalt  }
.Lfunc_end0:
.L_simem_size_0:
called_computation_lowered:
.L_overlay_start_0:
0x88: {  	s2 =	sld [smem:$0x3FD9]  }
0x89: {  	s3 =	sld [smem:$0x3FFE];
	_ =	sdelay $0x1  }
0x8a: {  	s1 =	srdreg.scid  }
0x8b: {  	s0 =	sand.u32 $0x1, s1  }
0x8c: {  	s18 =	sshll.u32 s0, $0xA;
	s2 =	sadd.s32 s3, s2  }
0x8d: {  	s2 =	sadd.s32 s2, s18  }
0x8e: {  	[smem:$0x3FC6] =	sst s2  }
0x8f: {  	_ = 	snop  }
0x90: {  	s2 =	sld [smem:$0x3FC9]  }
0x91: {  	s19 =	sld [smem:$0x3FC8]  }
0x92: {  	s4 =	sld [smem:$0x3FD0];
	(tm) =	ssettm $0x1  }
0x93: {  	s5 =	sld [smem:$0x3FFB];
	_ =	sdelay $0x3  }
0x94: {  	_ =	strace s5  }
0x95: {  	s5 =	sld [smem:$0x3FFC];
	_ =	sdelay $0x3  }
0x96: {  	_ =	strace s5  }
0x97: {  	s5 =	sld [smem:$0x3FFD];
	_ =	sdelay $0x3  }
0x98: {  	_ =	strace s5  }
0x99: {  	_ =	strace $0x8FFFFFFF  }
0x9a: {  	s20 =	sld [smem:$0x3FDB];
	_ =	sdelay $0x1  }
0x9b: {  	s6 =	simm.s32 $_scs_section_size  }
0x9c: {  	s7 =	simm.s32 $_size__tile_overlayer_lowered;
	s8 =	simm.s32 $_tile_overlayer_lowered  }
0x9d: {  	s23 =	simm.s32 $0x1BFF;
	s22 =	sshll.u32 s8, $0x1;
	s5 =	sadd.s32 s6, s20  }
0x9e: {  	s9 =	simm.s32 $0x0;
	s21 =	sshll.u32 s7, $0x1;
	s7 =	sadd.s32 s22, s5  }
0x9f: {  	[timem:s9], [sflag:s23] =	dma.local [hbm:s7], s21  }
0xa0: {  	_ =	swait.ge [sflag:s23], s21  }
0xa1: {  	s6 =	ssub.s32 $0x0, s21;
	[sflag:s23] =	ssyncset.done $0x0  }
0xa2: {  	[sflag:s23] =	ssyncadd.s32 s6;
	_ =	sdelay $0x1  }
0xa3: {  	s24 =	simm.s32 $0x1B8B  }
0xa4: {  	_ =	swait.ge [sflag:s24], $0x1  }
0xa5: {  	[sflag:s24] =	ssyncset.done $0x0  }
0xa6: {  	s25 =	simm.s32 $0x1B8E;
	[sflag:s24] =	ssyncadd.s32 $0xFFFFFFFF  }
0xa7: {  	s26 =	simm.s32 $execute0_lowered;
	[smem:$0x3FD2] =	sst s25  }
0xa8: {  	s6 =	sshll.u32 s26, $0x1;
	_ =	strace $0x80000046;
	[dreg:$0x1] =	wrdreg $0xFFFFFFFF  }
0xa9: {  	s28 =	simm.s32 $_size_execute0_lowered;
	s5 =	sadd.s32 s5, s6;
	[dreg:$0x0] =	wrdreg $0x0  }
0xaa: {  	s6 =	sshll.u32 s28, $0x1;
	[dreg:$0x2] =	wrdreg s5  }
0xab: {  	[dreg:$0x3] =	wrdreg s6  }
0xac: {  	[dreg:$0x4] =	wrdreg $0xC0  }
0xad: {  	_ =	task [dreg:s9], $0x5FFFF  }
0xae: {  	[dreg:$0x1] =	wrdreg $0xFFFFFFFF  }
0xaf: {  	[dreg:$0x0] =	wrdreg $0x60  }
0xb0: {  	[dreg:$0x2] =	wrdreg s2  }
0xb1: {  	[dreg:$0x3] =	wrdreg s19  }
0xb2: {  	[dreg:$0x4] =	wrdreg s4  }
0xb3: {  	[dreg:$0x5] =	wrdreg $0x9  }
0xb4: {  	_ =	task.clear_ibuf [dreg:s9], $0x6FFFF;
	_ =	strace $0x90000046  }
0xb5: {  	s29 =	simm.s32 $0x9;
	_ =	strace $0x80000048  }
0xb6: {  	_ =	swait.ge [sflag:s29], $0x1  }
0xb7: {  	[sflag:s29] =	ssyncadd.s32 $0xFFFFFFFF  }
0xb8: {  	_ =	strace $0x90000048  }
0xb9: {  	_ =	sfence  }
0xba: {  	s30 =	sld [smem:$0x0];
	_ =	sdelay $0x2  }
0xbb: {  	s31 =	sshll.u32 s1, $0xD;
	s1 =	sshrl.u32 s1, $0x2  }
0xbc: {  	s3 =	sand.u32 $0x4000, s31;
	s1 =	sadd.s32 s1, s30  }
0xbd: {  	s0 =	sor.u32 s3, s0;
	s1 =	sshll.u32 s1, $0x11  }
0xbe: {  	s0 =	sor.u32 s1, s0  }
0xbf: {  	s0 =	sadd.s32 $0x8F2B, s0  }
0xc0: {  	[sflag:s0] =	ssyncadd.remote.s32 $0x1  }
0xc1: {  	_ =	sfence.sel $0xFFFF  }
0xc2: {  	[dreg:$0x0] =	wrdreg $0xFFFFFFFF;
	(pc) =	sbr.abs _section_cstart, $3  }
0xc3: {  	[dreg:$0x1] =	wrdreg $0xFFFFFFFF  }
0xc4: {  	_ =	task.clear_ibuf [dreg:s9], $0x2FFFF;
	_ =	strace $0x9FFFFFFF  }
0xc5: {  	(tm) =	ssettm $0x7FFFFFFF  }
tec
execute0_lowered:
.L_overlay_start_1:
0x0: {  	(tag) =	ssettag $0x1  }
0x1: {  	s1 =	srdreg.scid  }
0x2: {  	s3 =	stileid.u32;
	s1 =	sand.u32 $0x1, s1  }
0x3: {  	s0 =	rddreg [dreg:$0x0];
	s3 =	sshll.u32 s3, $0x12;
	s4 =	sshll.u32 s1, $0x11  }
0x4: {  	s2 =	rddreg [dreg:$0x2];
	s5 =	simm.s32 $0x0;
	s3 =	sor.u32 s4, s3  }
0x5: {  	[smem:$0x7FF] =	sst s5;
	s1 =	ssub.s32 $0x2, s1;
	s6 =	sadd.s32 s0, s3  }
0x6: {  	_ =	strace $0x80000047;
	s28 =	sadd.s32 s2, s3;
	[dreg:$0x14] =	wrdreg s6  }
0x7: {  	s24 =	sshrl.u32 s1, $0x1;
	s26 =	sadd.s32 $0x1000, s6;
	[dreg:$0x16] =	wrdreg s28  }
.Ltmp0:
0x8: {  	s29 =	sadd.s32 $0x2000, s6;
	[dreg:$0x15] =	wrdreg s26;
	(pc) =	sbr.rel .LBB2_1-.Ltmp0, $4  }
0x9: {  	s25 =	ssub.s32 s1, s24;
	s30 =	sadd.s32 $0x3000, s6;
	[dreg:$0x17] =	wrdreg s29  }
0xa: {  	s0 =	smax.u32 s25, $0x1;
	[dreg:$0x18] =	wrdreg s30  }
0xb: {  	s11 =	simm.s32 $0x800;
	s31 =	sadd.s32 $0x800, s28;
	[dreg:$0x19] =	wrdreg s0  }
0xc: {  	s12 =	simm.s32 $0x8800;
	s2 =	simm.s32 $0x0;
	[dreg:$0x1a] =	wrdreg s31  }
.LBB2_8:
0xd: {  	s0 =	simm.s32 $0x3  }
0xe: {  	_ =	swait.ge [sflag:s0], $0x4000  }
0xf: {  	[sflag:s0] =	ssyncset.done $0x0  }
0x10: {  	s1 =	simm.s32 $0x4;
	[sflag:s0] =	ssyncadd.s32 $0xFFFFC000  }
0x11: {  	_ =	swait.ge [sflag:s1], $0x4000  }
0x12: {  	s2 =	rddreg [dreg:$0x1b]  }
0x13: {  	s31 =	rddreg [dreg:$0x19];
	s2 =	sadd.s32 $0x1, s2  }
0x14: {  	p0 =	sne.s32 s2, s31  }
.Ltmp1:
0x15: {  	_ = 	snop;
	(pc) =	sbr.rel @!p0 .LBB2_9-.Ltmp1, $3  }
0x16: {  	_ =	sdelay $0x1  }
0x17: {  	[sflag:s1] =	ssyncset.done $0x0  }
0x18: {  	[sflag:s1] =	ssyncadd.s32 $0xFFFFC000  }
.LBB2_1:
0x19: {  	[dreg:$0x1b] =	wrdreg s2  }
0x1a: {  	s0 =	rddreg [dreg:$0x1]  }
0x1b: {  	[tilespmem:s5], [sflag:$0x5] =	stream.linear.gather [hbm4b:s0+s5], $0x800, $0x38;
	[tilespmem:$0x18800] =	vst v63  }
0x1c: {  	s28 =	rddreg [dreg:$0x14]  }
0x1d: {  	[tilespmem:s11], [sflag:$0x1] =	stream.linear.gather [hbm4b:s28+s5], $0x8000, $0x38;
	[tilespmem:$0x18800] =	vst v63  }
0x1e: {  	s30 =	rddreg [dreg:$0x15];
	s31 =	simm.s32 $0x5  }
0x1f: {  	[tilespmem:s12], [sflag:$0x2] =	stream.linear.gather [hbm4b:s30+s5], $0x8000, $0x38;
	[tilespmem:$0x18800] =	vst v63  }
0x20: {  	_ =	swait.ge [sflag:s31], $0x800  }
0x21: {  	[sflag:s31] =	ssyncset.done $0x0  }
0x22: {  	s29 =	simm.s32 $0x0;
	[sflag:s31] =	ssyncadd.s32 $0xFFFFF800  }
.LBB2_2:
0x23: {  	s0 =	simm.s32 $0x1  }
0x24: {  	_ =	swait.ge [sflag:s0], $0x8000  }
0x25: {  	p0 =	seq.s32 s29, $0x0;
	[sflag:s0] =	ssyncset.done $0x0  }
0x26: {  	[sflag:s0] =	ssyncadd.s32 $0xFFFF8000;
	s0 =	simm.s32 @!p0 $0x3  }
0x27: {  	_ =	swait.ge @!p0 [sflag:s0], $0x4000  }
0x28: {  	[sflag:s0] =	ssyncset.done @!p0 $0x0  }
0x29: {  	s1 =	simm.s32 $0x0;
	[sflag:s0] =	ssyncadd.s32 @!p0 $0xFFFFC000;
	s0 =	simm.s32 @!p0 $0x4  }
0x2a: {  	s2 =	sand.u32 $0x40, s1;
	_ =	swait.ge @!p0 [sflag:s0], $0x4000  }
0x2b: {  	s23 =	sand.u32 $0x780, s1;
	s3 =	sor.u32 $0x30, s2;
	[sflag:s0] =	ssyncset.done @!p0 $0x0  }
0x2c: {  	s4 =	sor.u32 s3, s23;
	[sflag:s0] =	ssyncadd.s32 @!p0 $0xFFFFC000  }
0x2d: {  	v1 =	vld [tilespmem:s4+$0x0]  }
0x2e: {  	s5 =	sor.u32 $0x10, s2;
	v0 =	vld [tilespmem:s1+$0x0]  }
0x2f: {  	s24 =	sor.u32 $0x20, s2;
	s6 =	sor.u32 s5, s23  }
0x30: {  	s0 =	sor.u32 s24, s23;
	v2 =	vld [tilespmem:s6+$0x0]  }
0x31: {  	v3 =	vld [tilespmem:s0+$0x0]  }
0x32: {  	v5 =	vshll.u32 v1, $0x3  }
0x33: {  	v4 =	vshll.u32 v0, $0x3;
	v1 =	vand.u32 $0x7F, v1;
	v5 =	vand.u32 $0xFFFFFC00, v5  }
0x34: {  	v0 =	vand.u32 $0x7F, v0;
	v4 =	vand.u32 $0xFFFFFC00, v4;
	v5 =	vor.u32 v1, v5  }
0x35: {  	v0 =	vor.u32 v0, v4;
	v4 =	vshll.u32 v2, $0x3  }
0x36: {  	v2 =	vand.u32 $0x7F, v2;
	v1 =	vand.u32 $0xFFFFFC00, v4;
	v4 =	vshll.u32 v3, $0x3  }
0x37: {  	v6 =	vand.u32 $0xFFFFFC00, v4;
	v4 =	vor.u32 v2, v1  }
0x38: {  	v3 =	vand.u32 $0x7F, v3  }
0x39: {  	v3 =	vor.u32 v3, v6;
	v1 =	vld.idx.msk [tilespmem:v5+s11+$0x0], $0xffff  }
0x3a: {  	v6 =	vor.u32 $0x80, v5;
	v2 =	vld.idx.msk [tilespmem:v0+s11+$0x0], $0xffff  }
0x3b: {  	v7 =	vor.u32 $0x80, v0  }
0x3c: {  	s25 =	sand.u32 $0x3C00, s1;
	v8 =	vld.idx.msk [tilespmem:v4+s11+$0x0], $0xffff  }
0x3d: {  	s15 =	sor.u32 s25, s3;
	v9 =	vor.u32 $0x80, v4  }
0x3e: {  	s6 =	sor.u32 s2, s25;
	v10 =	vld.idx.msk [tilespmem:v3+s11+$0x0], $0xffff;
	[tilespmem:s15+$0x10800] =	vst v1  }
0x3f: {  	v11 =	vor.u32 $0x80, v3;
	[tilespmem:s6+$0x10800] =	vst v2;
	v1 =	vld.idx.msk [tilespmem:v6+s11+$0x0], $0xffff  }
0x40: {  	s8 =	sor.u32 s25, s5;
	v2 =	vld.idx.msk [tilespmem:v7+s11+$0x0], $0xffff;
	v6 =	vor.u32 $0x100, v5  }
0x41: {  	v7 =	vor.u32 $0x100, v0;
	[tilespmem:s8+$0x10800] =	vst v8  }
0x42: {  	s7 =	sor.u32 s25, s24;
	v8 =	vld.idx.msk [tilespmem:v9+s11+$0x0], $0xffff  }
0x43: {  	[tilespmem:s7+$0x10800] =	vst v10;
	v9 =	vor.u32 $0x100, v4  }
0x44: {  	v10 =	vld.idx.msk [tilespmem:v11+s11+$0x0], $0xffff;
	[tilespmem:s15+$0x10880] =	vst v1  }
0x45: {  	v11 =	vor.u32 $0x100, v3;
	[tilespmem:s6+$0x10880] =	vst v2;
	v1 =	vld.idx.msk [tilespmem:v6+s11+$0x0], $0xffff  }
0x46: {  	v2 =	vld.idx.msk [tilespmem:v7+s11+$0x0], $0xffff;
	v6 =	vor.u32 $0x180, v5  }
0x47: {  	v7 =	vor.u32 $0x180, v0;
	[tilespmem:s8+$0x10880] =	vst v8  }
0x48: {  	v8 =	vld.idx.msk [tilespmem:v9+s11+$0x0], $0xffff  }
0x49: {  	[tilespmem:s7+$0x10880] =	vst v10;
	v9 =	vor.u32 $0x180, v4  }
0x4a: {  	v10 =	vld.idx.msk [tilespmem:v11+s11+$0x0], $0xffff;
	[tilespmem:s15+$0x10900] =	vst v1  }
0x4b: {  	v11 =	vor.u32 $0x180, v3;
	[tilespmem:s6+$0x10900] =	vst v2;
	v1 =	vld.idx.msk [tilespmem:v6+s11+$0x0], $0xffff  }
0x4c: {  	v2 =	vld.idx.msk [tilespmem:v7+s11+$0x0], $0xffff;
	v6 =	vor.u32 $0x200, v5  }
0x4d: {  	v7 =	vor.u32 $0x200, v0;
	[tilespmem:s8+$0x10900] =	vst v8  }
0x4e: {  	v8 =	vld.idx.msk [tilespmem:v9+s11+$0x0], $0xffff  }
0x4f: {  	[tilespmem:s7+$0x10900] =	vst v10;
	v9 =	vor.u32 $0x200, v4  }
0x50: {  	p0 =	por $0x0, $0x0;
	s0 =	simm.s32 $0x1;
	v10 =	vld.idx.msk [tilespmem:v11+s11+$0x0], $0xffff;
	[tilespmem:s15+$0x10980] =	vst v1  }
0x51: {  	s0 =	simm.s32 @!p0 $0x0;
	v11 =	vor.u32 $0x200, v3;
	[tilespmem:s6+$0x10980] =	vst v2;
	v1 =	vld.idx.msk [tilespmem:v6+s11+$0x0], $0xffff  }
0x52: {  	s0 =	sshll.u32 s0, $0x6;
	v2 =	vld.idx.msk [tilespmem:v7+s11+$0x0], $0xffff;
	v6 =	vor.u32 $0x280, v5  }
0x53: {  	s26 =	sadd.s32 $0x0, s0;
	v7 =	vor.u32 $0x280, v0;
	[tilespmem:s8+$0x10980] =	vst v8  }
0x54: {  	s14 =	sadd.s32 $0x30, s26;
	v8 =	vld.idx.msk [tilespmem:v9+s11+$0x0], $0xffff  }
0x55: {  	s19 =	sor.u32 $0x200, s14;
	[tilespmem:s7+$0x10980] =	vst v10;
	v9 =	vor.u32 $0x280, v4  }
0x56: {  	s3 =	sor.u32 $0x200, s26;
	v10 =	vld.idx.msk [tilespmem:v11+s11+$0x0], $0xffff;
	[tilespmem:s19+$0x10800] =	vst v1  }
0x57: {  	s21 =	sadd.s32 $0x10, s26;
	v11 =	vor.u32 $0x280, v3;
	[tilespmem:s3+$0x10800] =	vst v2;
	v1 =	vld.idx.msk [tilespmem:v6+s11+$0x0], $0xffff  }
0x58: {  	s16 =	sor.u32 $0x200, s21;
	v2 =	vld.idx.msk [tilespmem:v7+s11+$0x0], $0xffff;
	v6 =	vor.u32 $0x300, v5  }
0x59: {  	s13 =	sadd.s32 $0x20, s26;
	v7 =	vor.u32 $0x300, v0;
	[tilespmem:s16+$0x10800] =	vst v8  }
0x5a: {  	s10 =	sor.u32 $0x200, s13;
	v8 =	vld.idx.msk [tilespmem:v9+s11+$0x0], $0xffff  }
0x5b: {  	s18 =	sor.u32 $0x280, s14;
	[tilespmem:s10+$0x10800] =	vst v10;
	v9 =	vor.u32 $0x300, v4  }
0x5c: {  	s0 =	sor.u32 $0x280, s26;
	v10 =	vld.idx.msk [tilespmem:v11+s11+$0x0], $0xffff;
	[tilespmem:s18+$0x10800] =	vst v1  }
0x5d: {  	s17 =	sor.u32 $0x280, s21;
	v11 =	vor.u32 $0x300, v3;
	[tilespmem:s0+$0x10800] =	vst v2;
	v1 =	vld.idx.msk [tilespmem:v6+s11+$0x0], $0xffff  }
0x5e: {  	v2 =	vld.idx.msk [tilespmem:v7+s11+$0x0], $0xffff;
	[dreg:$0x7] =	wrdreg s17;
	v6 =	vor.u32 $0x380, v5  }
0x5f: {  	v7 =	vor.u32 $0x380, v0;
	[tilespmem:s17+$0x10800] =	vst v8  }
0x60: {  	s1 =	simm.s32 $0x40;
	s31 =	sor.u32 $0x280, s13;
	v8 =	vld.idx.msk [tilespmem:v9+s11+$0x0], $0xffff  }
0x61: {  	s17 =	sor.u32 $0x300, s14;
	v12 =	vld [tilespmem:s1+$0x0];
	[tilespmem:s31+$0x10800] =	vst v10;
	v9 =	vor.u32 $0x380, v4  }
0x62: {  	s30 =	sor.u32 $0x300, s26;
	v10 =	vld.idx.msk [tilespmem:v11+s11+$0x0], $0xffff;
	[tilespmem:s17+$0x10800] =	vst v1  }
0x63: {  	s20 =	sor.u32 $0x300, s21;
	v11 =	vor.u32 $0x380, v3;
	[tilespmem:s30+$0x10800] =	vst v2;
	v1 =	vld.idx.msk [tilespmem:v6+s11+$0x0], $0xffff  }
0x64: {  	v2 =	vld.idx.msk [tilespmem:v7+s11+$0x0], $0xffff;
	[dreg:$0xb] =	wrdreg s20  }
0x65: {  	s22 =	sor.u32 $0x300, s13;
	[tilespmem:s20+$0x10800] =	vst v8  }
0x66: {  	s4 =	sand.u32 $0x40, s1;
	v7 =	vld.idx.msk [tilespmem:v9+s11+$0x0], $0xffff;
	[dreg:$0xc] =	wrdreg s22  }
0x67: {  	s9 =	sor.u32 $0x30, s4;
	v6 =	vadd.s32 $0x4000, v5;
	[tilespmem:s22+$0x10800] =	vst v10;
	s22 =	sand.u32 $0x780, s1  }
0x68: {  	s5 =	sor.u32 $0x10, s4;
	v9 =	vld.idx.msk [tilespmem:v11+s11+$0x0], $0xffff;
	s20 =	sor.u32 s9, s22  }
0x69: {  	s24 =	sor.u32 $0x20, s4;
	v8 =	vadd.s32 $0x4000, v4;
	s23 =	sor.u32 s5, s22;
	v11 =	vld [tilespmem:s20+$0x0]  }
0x6a: {  	s14 =	sor.u32 $0x380, s14;
	s25 =	sor.u32 s24, s22;
	v13 =	vld [tilespmem:s23+$0x0]  }
0x6b: {  	v10 =	vadd.s32 $0x4000, v3;
	[tilespmem:s14+$0x10800] =	vst v1;
	s23 =	sor.u32 $0x380, s21;
	v15 =	vld [tilespmem:s25+$0x0]  }
0x6c: {  	v6 =	vld.idx.msk [tilespmem:v6+s11+$0x0], $0xffff;
	[dreg:$0x6] =	wrdreg s23  }
0x6d: {  	s13 =	sor.u32 $0x380, s13;
	v14 =	vadd.s32 $0x4000, v0;
	v1 =	vshll.u32 v12, $0x3;
	[tilespmem:s23+$0x10800] =	vst v7  }
0x6e: {  	v12 =	vand.u32 $0x7F, v12;
	v1 =	vand.u32 $0xFFFFFC00, v1;
	v7 =	vadd.s32 $0x4080, v5;
	v8 =	vld.idx.msk [tilespmem:v8+s11+$0x0], $0xffff;
	[dreg:$0x4] =	wrdreg s13  }
0x6f: {  	s2 =	sor.u32 $0x380, s26;
	v1 =	vor.u32 v12, v1;
	[tilespmem:s13+$0x10800] =	vst v9  }
0x70: {  	v9 =	vadd.s32 $0x4080, v4;
	v10 =	vld.idx.msk [tilespmem:v10+s11+$0x0], $0xffff;
	v12 =	vshll.u32 v11, $0x3;
	[dreg:$0x9] =	wrdreg s2  }
0x71: {  	v16 =	vadd.s32 $0x4080, v3;
	[tilespmem:s2+$0x10800] =	vst v2;
	v2 =	vand.u32 $0x7F, v11;
	v11 =	vand.u32 $0xFFFFFC00, v12  }
0x72: {  	[tilespmem:s15+$0x14800] =	vst v6;
	v12 =	vld.idx.msk [tilespmem:v14+s11+$0x0], $0xffff;
	v2 =	vor.u32 v2, v11  }
0x73: {  	v6 =	vadd.s32 $0x4080, v0;
	v14 =	vshll.u32 v13, $0x3;
	v7 =	vld.idx.msk [tilespmem:v7+s11+$0x0], $0xffff;
	v13 =	vand.u32 $0x7F, v13  }
0x74: {  	v18 =	vld.idx.msk [tilespmem:v1+s11+$0x0], $0xffff;
	v11 =	vand.u32 $0xFFFFFC00, v14;
	v14 =	vshll.u32 v15, $0x3;
	[tilespmem:s8+$0x14800] =	vst v8;
	v8 =	vadd.s32 $0x4100, v5  }
0x75: {  	v15 =	vand.u32 $0x7F, v15;
	v14 =	vand.u32 $0xFFFFFC00, v14;
	v17 =	vor.u32 v13, v11;
	v9 =	vld.idx.msk [tilespmem:v9+s11+$0x0], $0xffff;
	[tilespmem:s7+$0x14800] =	vst v10  }
0x76: {  	v27 =	vor.u32 v15, v14;
	v10 =	vld.idx.msk [tilespmem:v16+s11+$0x0], $0xffff  }
0x77: {  	s13 =	simm.s32 $0x200;
	v11 =	vadd.s32 $0x4100, v4;
	[tilespmem:s6+$0x14800] =	vst v12;
	v12 =	vld.idx.msk [tilespmem:v2+s11+$0x0], $0xffff  }
0x78: {  	s26 =	sand.u32 $0x3C00, s13;
	v14 =	vor.u32 $0x80, v1;
	[tilespmem:s15+$0x14880] =	vst v7;
	v6 =	vld.idx.msk [tilespmem:v6+s11+$0x0], $0xffff  }
0x79: {  	s4 =	sor.u32 s4, s26;
	v13 =	vadd.s32 $0x4100, v3;
	v8 =	vld.idx.msk [tilespmem:v8+s11+$0x0], $0xffff  }
0x7a: {  	v7 =	vor.u32 $0x80, v2;
	[tilespmem:s4+$0x10800] =	vst v18;
	v15 =	vld.idx.msk [tilespmem:v17+s11+$0x0], $0xffff  }
0x7b: {  	[tilespmem:s8+$0x14880] =	vst v9;
	v9 =	vadd.s32 $0x4180, v5;
	v16 =	vld.idx.msk [tilespmem:v27+s11+$0x0], $0xffff  }
0x7c: {  	s2 =	sor.u32 s26, s9;
	v19 =	vor.u32 $0x80, v17;
	v11 =	vld.idx.msk [tilespmem:v11+s11+$0x0], $0xffff;
	[tilespmem:s7+$0x14880] =	vst v10  }
0x7d: {  	v14 =	vld.idx.msk [tilespmem:v14+s11+$0x0], $0xffff;
	v10 =	vor.u32 $0x80, v27;
	[tilespmem:s2+$0x10800] =	vst v12  }
0x7e: {  	v12 =	vld.idx.msk [tilespmem:v13+s11+$0x0], $0xffff;
	v13 =	vadd.s32 $0x4100, v0;
	[tilespmem:s15+$0x14900] =	vst v8  }
0x7f: {  	s9 =	sor.u32 s26, s5;
	v18 =	vadd.s32 $0x4180, v4;
	v7 =	vld.idx.msk [tilespmem:v7+s11+$0x0], $0xffff;
	[tilespmem:s6+$0x14880] =	vst v6  }
0x80: {  	s5 =	sor.u32 s26, s24;
	v8 =	vor.u32 $0x100, v2;
	[tilespmem:s9+$0x10800] =	vst v15;
	v9 =	vld.idx.msk [tilespmem:v9+s11+$0x0], $0xffff  }
0x81: {  	v15 =	vor.u32 $0x100, v1;
	v19 =	vld.idx.msk [tilespmem:v19+s11+$0x0], $0xffff;
	[tilespmem:s5+$0x10800] =	vst v16  }
0x82: {  	v6 =	vadd.s32 $0x4200, v5;
	[tilespmem:s8+$0x14900] =	vst v11;
	v10 =	vld.idx.msk [tilespmem:v10+s11+$0x0], $0xffff  }
0x83: {  	v16 =	vor.u32 $0x100, v17;
	[tilespmem:s4+$0x10880] =	vst v14;
	v13 =	vld.idx.msk [tilespmem:v13+s11+$0x0], $0xffff  }
0x84: {  	v11 =	vor.u32 $0x100, v27;
	[tilespmem:s2+$0x10880] =	vst v7;
	v7 =	vld.idx.msk [tilespmem:v18+s11+$0x0], $0xffff  }
0x85: {  	[tilespmem:s7+$0x14900] =	vst v12;
	v18 =	vadd.s32 $0x4180, v3;
	v8 =	vld.idx.msk [tilespmem:v8+s11+$0x0], $0xffff  }
0x86: {  	v14 =	vld.idx.msk [tilespmem:v15+s11+$0x0], $0xffff;
	v15 =	vadd.s32 $0x4180, v0;
	[tilespmem:s15+$0x14980] =	vst v9  }
0x87: {  	v9 =	vor.u32 $0x180, v2;
	[tilespmem:s9+$0x10880] =	vst v19;
	v6 =	vld.idx.msk [tilespmem:v6+s11+$0x0], $0xffff  }
0x88: {  	v19 =	vor.u32 $0x180, v1;
	v16 =	vld.idx.msk [tilespmem:v16+s11+$0x0], $0xffff;
	[tilespmem:s5+$0x10880] =	vst v10  }
0x89: {  	v10 =	vld.idx.msk [tilespmem:v11+s11+$0x0], $0xffff;
	v11 =	vadd.s32 $0x4280, v5;
	[tilespmem:s6+$0x14900] =	vst v13  }
0x8a: {  	v12 =	vor.u32 $0x180, v17;
	v13 =	vld.idx.msk [tilespmem:v18+s11+$0x0], $0xffff;
	[tilespmem:s8+$0x14980] =	vst v7  }
0x8b: {  	v18 =	vor.u32 $0x180, v27;
	[tilespmem:s2+$0x10900] =	vst v8;
	v8 =	vld.idx.msk [tilespmem:v15+s11+$0x0], $0xffff  }
0x8c: {  	v15 =	vadd.s32 $0x4200, v4;
	[tilespmem:s4+$0x10900] =	vst v14;
	v9 =	vld.idx.msk [tilespmem:v9+s11+$0x0], $0xffff  }
0x8d: {  	v14 =	vadd.s32 $0x4200, v3;
	v19 =	vld.idx.msk [tilespmem:v19+s11+$0x0], $0xffff;
	[tilespmem:s19+$0x14800] =	vst v6  }
0x8e: {  	v6 =	vor.u32 $0x200, v2;
	[tilespmem:s9+$0x10900] =	vst v16;
	v11 =	vld.idx.msk [tilespmem:v11+s11+$0x0], $0xffff  }
0x8f: {  	v16 =	vor.u32 $0x200, v1;
	v12 =	vld.idx.msk [tilespmem:v12+s11+$0x0], $0xffff;
	[tilespmem:s5+$0x10900] =	vst v10  }
0x90: {  	v7 =	vadd.s32 $0x4300, v5;
	v10 =	vld.idx.msk [tilespmem:v18+s11+$0x0], $0xffff;
	[tilespmem:s7+$0x14980] =	vst v13  }
0x91: {  	v18 =	vor.u32 $0x200, v17;
	v15 =	vld.idx.msk [tilespmem:v15+s11+$0x0], $0xffff;
	[tilespmem:s6+$0x14980] =	vst v8  }
0x92: {  	v13 =	vor.u32 $0x200, v27;
	[tilespmem:s2+$0x10980] =	vst v9;
	v9 =	vld.idx.msk [tilespmem:v14+s11+$0x0], $0xffff  }
0x93: {  	p0 =	por !p0, !p0;
	s7 =	simm.s32 $0x1;
	[tilespmem:s4+$0x10980] =	vst v19;
	v14 =	vadd.s32 $0x4200, v0;
	v6 =	vld.idx.msk [tilespmem:v6+s11+$0x0], $0xffff  }
0x94: {  	s7 =	simm.s32 @!p0 $0x0;
	v19 =	vadd.s32 $0x4280, v4;
	v16 =	vld.idx.msk [tilespmem:v16+s11+$0x0], $0xffff;
	[tilespmem:s18+$0x14800] =	vst v11  }
0x95: {  	s7 =	sshll.u32 s7, $0x6;
	[tilespmem:s9+$0x10980] =	vst v12;
	v11 =	vor.u32 $0x280, v2;
	v7 =	vld.idx.msk [tilespmem:v7+s11+$0x0], $0xffff  }
0x96: {  	s18 =	sadd.s32 $0x200, s7;
	v12 =	vor.u32 $0x280, v1;
	v18 =	vld.idx.msk [tilespmem:v18+s11+$0x0], $0xffff;
	[tilespmem:s5+$0x10980] =	vst v10  }
0x97: {  	v8 =	vadd.s32 $0x4380, v5;
	s24 =	sadd.s32 $0x30, s18;
	v10 =	vld.idx.msk [tilespmem:v13+s11+$0x0], $0xffff;
	[tilespmem:s16+$0x14800] =	vst v15  }
0x98: {  	v23 =	vadd.s32 $0x4280, v3;
	s15 =	sor.u32 $0x200, s24;
	v20 =	vld.idx.msk [tilespmem:v14+s11+$0x0], $0xffff;
	[tilespmem:s10+$0x14800] =	vst v9  }
0x99: {  	s20 =	sor.u32 $0x200, s18;
	v13 =	vor.u32 $0x280, v17;
	v29 =	vld.idx.msk [tilespmem:v19+s11+$0x0], $0xffff;
	[tilespmem:s15+$0x10800] =	vst v6  }
0x9a: {  	s22 =	sadd.s32 $0x10, s18;
	v14 =	vor.u32 $0x280, v27;
	[tilespmem:s20+$0x10800] =	vst v16;
	v11 =	vld.idx.msk [tilespmem:v11+s11+$0x0], $0xffff  }
0x9b: {  	v28 =	vadd.s32 $0x4280, v0;
	v35 =	vor.u32 $0x300, v1;
	v31 =	vor.u32 $0x300, v2;
	s23 =	sadd.s32 $0x20, s18;
	s8 =	sor.u32 $0x200, s22;
	v24 =	vld.idx.msk [tilespmem:v12+s11+$0x0], $0xffff;
	[tilespmem:s17+$0x14800] =	vst v7  }
0x9c: {  	v25 =	vor.u32 $0x300, v17;
	v22 =	vor.u32 $0x380, v17;
	v26 =	vor.u32 $0x300, v27;
	s7 =	sor.u32 $0x200, s23;
	[tilespmem:s8+$0x10800] =	vst v18;
	v34 =	vld.idx.msk [tilespmem:v8+s11+$0x0], $0xffff  }
0x9d: {  	v21 =	vor.u32 $0x380, v27;
	v5 =	vadd.s32 $0x4300, v4;
	v15 =	vadd.s32 $0x4080, v27;
	v30 =	vld.idx.msk [tilespmem:v23+s11+$0x0], $0xffff;
	[tilespmem:s7+$0x10800] =	vst v10  }
0x9e: {  	s16 =	sor.u32 $0x280, s24;
	v19 =	vadd.s32 $0x4000, v17;
	v9 =	vadd.s32 $0x4200, v17;
	v16 =	vadd.s32 $0x4080, v17;
	v32 =	vld.idx.msk [tilespmem:v13+s11+$0x0], $0xffff;
	[tilespmem:s3+$0x14800] =	vst v20  }
0x9f: {  	s26 =	sor.u32 $0x280, s18;
	s21 =	sor.u32 $0x300, s22;
	v23 =	vadd.s32 $0x4300, v17;
	v12 =	vadd.s32 $0x4180, v27;
	v18 =	vadd.s32 $0x4000, v27;
	v33 =	vld.idx.msk [tilespmem:v14+s11+$0x0], $0xffff;
	[tilespmem:s16+$0x10800] =	vst v11  }
0xa0: {  	s25 =	sor.u32 $0x280, s22;
	s28 =	sor.u32 $0x280, s23;
	s10 =	sor.u32 $0x380, s23;
	v7 =	vadd.s32 $0x4280, v17;
	v10 =	vadd.s32 $0x4180, v17;
	v13 =	vadd.s32 $0x4100, v27;
	v28 =	vld.idx.msk [tilespmem:v28+s11+$0x0], $0xffff;
	[tilespmem:s26+$0x10800] =	vst v24  }
0xa1: {  	s17 =	simm.s32 $0x80;
	v8 =	vadd.s32 $0x4280, v27;
	v14 =	vadd.s32 $0x4100, v17;
	s3 =	sor.u32 $0x380, s22;
	s22 =	sor.u32 $0x300, s23;
	v20 =	vadd.s32 $0x4380, v17;
	v31 =	vld.idx.msk [tilespmem:v31+s11+$0x0], $0xffff;
	[tilespmem:s14+$0x14800] =	vst v34  }
0xa2: {  	s23 =	sor.u32 $0x300, s18;
	v17 =	vadd.s32 $0x4380, v27;
	v11 =	vadd.s32 $0x4200, v27;
	v24 =	vadd.s32 $0x4300, v27;
	v27 =	vld.idx.msk [tilespmem:v35+s11+$0x0], $0xffff;
	[dreg:$0x1c] =	wrdreg s29;
	s29 =	sshll.u32 s29, $0xD  }
0xa3: {  	v4 =	vadd.s32 $0x4380, v4;
	v6 =	vadd.s32 $0x4300, v3;
	v3 =	vadd.s32 $0x4380, v3;
	s18 =	sor.u32 $0x380, s18;
	s14 =	simm.s32 $0x4;
	[dreg:$0x1d] =	wrdreg s29  }
.LBB2_3:
0xa4: {  	v35 =	vor.u32 $0x380, v1  }
0xa5: {  	[tilespmem:s28+$0x10800] =	vst v33  }
0xa6: {  	v34 =	vld [tilespmem:s17+$0x0];
	[tilespmem:s25+$0x10800] =	vst v32  }
0xa7: {  	v56 =	vadd.s32 $0x4300, v0;
	v26 =	vld.idx.msk [tilespmem:v26+s11+$0x0], $0xffff;
	[tilespmem:s31+$0x14800] =	vst v30  }
0xa8: {  	v55 =	vor.u32 $0x380, v2;
	s6 =	rddreg [dreg:$0x7];
	s19 =	smov.u32 s25;
	[tilespmem:s23+$0x10800] =	vst v27;
	v25 =	vld.idx.msk [tilespmem:v25+s11+$0x0], $0xffff  }
0xa9: {  	[dreg:$0x7] =	wrdreg s19;
	s19 =	sor.u32 $0x300, s24;
	[tilespmem:s6+$0x14800] =	vst v29;
	v27 =	vld.idx.msk [tilespmem:v35+s11+$0x0], $0xffff  }
0xaa: {  	[tilespmem:s19+$0x10800] =	vst v31;
	v29 =	vld.idx.msk [tilespmem:v5+s11+$0x0], $0xffff  }
0xab: {  	s29 =	smov.u32 s26;
	[tilespmem:s0+$0x14800] =	vst v28;
	v5 =	vmov v23;
	v23 =	vld.idx.msk [tilespmem:v6+s11+$0x0], $0xffff  }
0xac: {  	[dreg:$0x13] =	wrdreg s29;
	s25 =	smov.u32 s28;
	v28 =	vld.idx.msk [tilespmem:v56+s11+$0x0], $0xffff;
	[tilespmem:s22+$0x10800] =	vst v26  }
0xad: {  	s1 =	sadd.s32 $0x40, s1;
	[dreg:$0x10] =	wrdreg s25;
	v6 =	vmov v24;
	v24 =	vld.idx.msk [tilespmem:v55+s11+$0x0], $0xffff;
	[tilespmem:s21+$0x10800] =	vst v25  }
0xae: {  	s29 =	sand.u32 $0x780, s1;
	s25 =	sand.u32 $0x40, s1;
	s6 =	rddreg [dreg:$0xb];
	v25 =	vadd.s32 $0x4000, v2;
	v21 =	vld.idx.msk [tilespmem:v21+s11+$0x0], $0xffff;
	[tilespmem:s18+$0x10800] =	vst v27  }
0xaf: {  	s26 =	sor.u32 $0x30, s25;
	v22 =	vld.idx.msk [tilespmem:v22+s11+$0x0], $0xffff;
	[tilespmem:s6+$0x14800] =	vst v29;
	s6 =	sor.u32 $0x380, s24;
	s24 =	rddreg [dreg:$0xc]  }
0xb0: {  	s28 =	sor.u32 $0x10, s25;
	s31 =	sor.u32 s26, s29;
	v26 =	vld.idx.msk [tilespmem:v4+s11+$0x0], $0xffff;
	[tilespmem:s24+$0x14800] =	vst v23;
	s24 =	sor.u32 $0x20, s25  }
0xb1: {  	s0 =	smov.u32 s21;
	s21 =	sor.u32 s28, s29;
	[tilespmem:s30+$0x14800] =	vst v28;
	v4 =	vmov v20;
	v20 =	vld [tilespmem:s31+$0x0];
	s29 =	sor.u32 s24, s29  }
0xb2: {  	[tilespmem:s6+$0x10800] =	vst v24;
	v23 =	vadd.s32 $0x4000, v1;
	v28 =	vld [tilespmem:s29+$0x0]  }
0xb3: {  	v24 =	vld.idx.msk [tilespmem:v25+s11+$0x0], $0xffff  }
0xb4: {  	v27 =	vshll.u32 v34, $0x3;
	v25 =	vld [tilespmem:s21+$0x0];
	[tilespmem:s10+$0x10800] =	vst v21;
	v21 =	vadd.s32 $0x4380, v0  }
0xb5: {  	v29 =	vand.u32 $0x7F, v34;
	v27 =	vand.u32 $0xFFFFFC00, v27;
	[tilespmem:s3+$0x10800] =	vst v22;
	v22 =	vadd.s32 $0x4080, v2;
	v18 =	vld.idx.msk [tilespmem:v18+s11+$0x0], $0xffff  }
0xb6: {  	s29 =	rddreg [dreg:$0x6];
	v0 =	vmov v1;
	v1 =	vor.u32 v29, v27;
	v19 =	vld.idx.msk [tilespmem:v19+s11+$0x0], $0xffff  }
0xb7: {  	[tilespmem:s29+$0x14800] =	vst v26;
	v23 =	vld.idx.msk [tilespmem:v23+s11+$0x0], $0xffff  }
0xb8: {  	v26 =	vshll.u32 v20, $0x3;
	[tilespmem:s2+$0x14800] =	vst v24;
	v24 =	vld.idx.msk [tilespmem:v3+s11+$0x0], $0xffff  }
0xb9: {  	v31 =	vadd.s32 $0x4080, v0;
	v20 =	vand.u32 $0x7F, v20;
	v26 =	vand.u32 $0xFFFFFC00, v26;
	v59 =	vld.idx.msk [tilespmem:v21+s11+$0x0], $0xffff  }
0xba: {  	v29 =	vor.u32 v20, v26;
	v27 =	vshll.u32 v25, $0x3;
	v20 =	vld.idx.msk [tilespmem:v22+s11+$0x0], $0xffff;
	[tilespmem:s5+$0x14800] =	vst v18  }
0xbb: {  	[dreg:$0xb] =	wrdreg s0;
	s0 =	smov.u32 s22;
	v3 =	vmovc v17;
	v36 =	vld.idx.msk [tilespmem:v1+s11+$0x0], $0xffff;
	v17 =	vand.u32 $0xFFFFFC00, v27;
	v22 =	vand.u32 $0x7F, v25;
	[tilespmem:s9+$0x14800] =	vst v19;
	v19 =	vadd.s32 $0x4100, v2  }
0xbc: {  	[dreg:$0xc] =	wrdreg s0;
	v27 =	vshll.u32 v28, $0x3;
	v17 =	vor.u32 v22, v17;
	[tilespmem:s4+$0x14800] =	vst v23;
	v23 =	vld.idx.msk [tilespmem:v15+s11+$0x0], $0xffff  }
0xbd: {  	s22 =	smov.u32 s3;
	s0 =	smov.u32 s23;
	s23 =	rddreg [dreg:$0x4];
	v58 =	vor.u32 $0x80, v1;
	v25 =	vand.u32 $0x7F, v28;
	v26 =	vand.u32 $0xFFFFFC00, v27;
	v41 =	vld.idx.msk [tilespmem:v16+s11+$0x0], $0xffff  }
0xbe: {  	s13 =	sadd.s32 $0x200, s13;
	[dreg:$0x6] =	wrdreg s22;
	v37 =	vor.u32 v25, v26;
	v46 =	vld.idx.msk [tilespmem:v31+s11+$0x0], $0xffff;
	[tilespmem:s23+$0x14800] =	vst v24  }
0xbf: {  	s22 =	sand.u32 $0x3C00, s13;
	s29 =	smov.u32 s10;
	s10 =	rddreg [dreg:$0x9];
	v45 =	vld.idx.msk [tilespmem:v29+s11+$0x0], $0xffff;
	[tilespmem:s2+$0x14880] =	vst v20  }
0xc0: {  	[dreg:$0x4] =	wrdreg s29;
	s29 =	sor.u32 s25, s22;
	[tilespmem:s10+$0x14800] =	vst v59;
	v47 =	vld.idx.msk [tilespmem:v19+s11+$0x0], $0xffff  }
0xc1: {  	v20 =	vor.u32 $0x80, v29;
	[tilespmem:s29+$0x10800] =	vst v36;
	v48 =	vld.idx.msk [tilespmem:v17+s11+$0x0], $0xffff  }
0xc2: {  	v57 =	vadd.s32 $0x4100, v0;
	v35 =	vld.idx.msk [tilespmem:v58+s11+$0x0], $0xffff;
	[tilespmem:s9+$0x14880] =	vst v41  }
0xc3: {  	v60 =	vadd.s32 $0x4180, v2;
	v49 =	vld.idx.msk [tilespmem:v37+s11+$0x0], $0xffff;
	[tilespmem:s5+$0x14880] =	vst v23  }
0xc4: {  	s26 =	sor.u32 s22, s26;
	v38 =	vor.u32 $0x80, v17;
	[tilespmem:s4+$0x14880] =	vst v46;
	v52 =	vld.idx.msk [tilespmem:v14+s11+$0x0], $0xffff  }
0xc5: {  	v40 =	vor.u32 $0x80, v37;
	[tilespmem:s26+$0x10800] =	vst v45;
	v61 =	vld.idx.msk [tilespmem:v13+s11+$0x0], $0xffff  }
0xc6: {  	s23 =	sor.u32 s22, s28;
	v62 =	vld.idx.msk [tilespmem:v20+s11+$0x0], $0xffff;
	[tilespmem:s2+$0x14900] =	vst v47  }
0xc7: {  	v34 =	vld.idx.msk [tilespmem:v57+s11+$0x0], $0xffff;
	[tilespmem:s23+$0x10800] =	vst v48;
	v48 =	vor.u32 $0x100, v1  }
0xc8: {  	s24 =	sor.u32 s22, s24;
	v63 =	vor.u32 $0x100, v29;
	[tilespmem:s29+$0x10880] =	vst v35;
	v41 =	vld.idx.msk [tilespmem:v60+s11+$0x0], $0xffff  }
0xc9: {  	v38 =	vld.idx.msk [tilespmem:v38+s11+$0x0], $0xffff;
	[tilespmem:s24+$0x10800] =	vst v49;
	v49 =	vadd.s32 $0x4200, v2  }
0xca: {  	v39 =	vor.u32 $0x100, v17;
	v40 =	vld.idx.msk [tilespmem:v40+s11+$0x0], $0xffff;
	[tilespmem:s9+$0x14900] =	vst v52  }
0xcb: {  	v43 =	vor.u32 $0x100, v37;
	v55 =	vld.idx.msk [tilespmem:v10+s11+$0x0], $0xffff;
	[tilespmem:s26+$0x10880] =	vst v62  }
0xcc: {  	v58 =	vadd.s32 $0x4180, v0;
	v57 =	vld.idx.msk [tilespmem:v48+s11+$0x0], $0xffff;
	[tilespmem:s4+$0x14900] =	vst v34  }
0xcd: {  	v56 =	vld.idx.msk [tilespmem:v63+s11+$0x0], $0xffff;
	[tilespmem:s2+$0x14980] =	vst v41  }
0xce: {  	v59 =	vor.u32 $0x180, v29;
	[tilespmem:s23+$0x10880] =	vst v38;
	v41 =	vld.idx.msk [tilespmem:v49+s11+$0x0], $0xffff  }
0xcf: {  	v60 =	vor.u32 $0x180, v1;
	v39 =	vld.idx.msk [tilespmem:v39+s11+$0x0], $0xffff;
	[tilespmem:s24+$0x10880] =	vst v40  }
0xd0: {  	v40 =	vld.idx.msk [tilespmem:v43+s11+$0x0], $0xffff;
	[tilespmem:s5+$0x14900] =	vst v61;
	v61 =	vadd.s32 $0x4280, v2  }
0xd1: {  	v42 =	vor.u32 $0x180, v17;
	v32 =	vor.u32 $0x200, v17;
	v27 =	vor.u32 $0x280, v17;
	s2 =	smov.u32 s26;
	v63 =	vld.idx.msk [tilespmem:v58+s11+$0x0], $0xffff  }
0xd2: {  	v25 =	vor.u32 $0x300, v17;
	v22 =	vor.u32 $0x380, v17;
	v44 =	vor.u32 $0x180, v37;
	v62 =	vld.idx.msk [tilespmem:v12+s11+$0x0], $0xffff;
	[tilespmem:s2+$0x10900] =	vst v56  }
0xd3: {  	v16 =	vadd.s32 $0x4080, v17;
	v50 =	vadd.s32 $0x4180, v17;
	v53 =	vadd.s32 $0x4200, v17;
	[tilespmem:s29+$0x10900] =	vst v57;
	v48 =	vld.idx.msk [tilespmem:v59+s11+$0x0], $0xffff  }
0xd4: {  	v33 =	vadd.s32 $0x4280, v17;
	v30 =	vor.u32 $0x200, v37;
	v28 =	vor.u32 $0x280, v37;
	v49 =	vld.idx.msk [tilespmem:v60+s11+$0x0], $0xffff;
	[tilespmem:s15+$0x14800] =	vst v41  }
0xd5: {  	v26 =	vor.u32 $0x300, v37;
	v51 =	vadd.s32 $0x4180, v37;
	v10 =	vmovc v50;
	v50 =	vor.u32 $0x200, v29;
	[tilespmem:s23+$0x10900] =	vst v39;
	v41 =	vld.idx.msk [tilespmem:v61+s11+$0x0], $0xffff  }
0xd6: {  	v21 =	vor.u32 $0x380, v37;
	v18 =	vadd.s32 $0x4000, v37;
	v12 =	vmovc v51;
	v51 =	vor.u32 $0x200, v1;
	v42 =	vld.idx.msk [tilespmem:v42+s11+$0x0], $0xffff;
	[tilespmem:s24+$0x10900] =	vst v40  }
0xd7: {  	v15 =	vadd.s32 $0x4080, v37;
	v31 =	vadd.s32 $0x4100, v37;
	v56 =	vadd.s32 $0x4200, v0;
	[tilespmem:s9+$0x14980] =	vst v55;
	v40 =	vld.idx.msk [tilespmem:v44+s11+$0x0], $0xffff  }
0xd8: {  	v54 =	vadd.s32 $0x4200, v37;
	v24 =	vadd.s32 $0x4100, v17;
	v52 =	vadd.s32 $0x4300, v2;
	v55 =	vld.idx.msk [tilespmem:v9+s11+$0x0], $0xffff;
	[tilespmem:s5+$0x14980] =	vst v62  }
0xd9: {  	v19 =	vadd.s32 $0x4000, v17;
	v23 =	vadd.s32 $0x4300, v17;
	v13 =	vmovc v31;
	v31 =	vadd.s32 $0x4280, v37;
	v34 =	vld.idx.msk [tilespmem:v11+s11+$0x0], $0xffff;
	[tilespmem:s2+$0x10980] =	vst v48  }
0xda: {  	p0 =	por !p0, !p0;
	s3 =	simm.s32 $0x1;
	v14 =	vmovc v24;
	v24 =	vadd.s32 $0x4300, v37;
	v20 =	vadd.s32 $0x4380, v17;
	v17 =	vadd.s32 $0x4380, v37;
	[tilespmem:s29+$0x10980] =	vst v49;
	v37 =	vld.idx.msk [tilespmem:v50+s11+$0x0], $0xffff  }
0xdb: {  	s3 =	simm.s32 @!p0 $0x0;
	v57 =	vld.idx.msk [tilespmem:v51+s11+$0x0], $0xffff;
	[tilespmem:s4+$0x14980] =	vst v63  }
0xdc: {  	s3 =	sshll.u32 s3, $0x6;
	v58 =	vor.u32 $0x280, v29;
	s9 =	smov.u32 s23;
	[tilespmem:s16+$0x14800] =	vst v41;
	v38 =	vld.idx.msk [tilespmem:v56+s11+$0x0], $0xffff  }
0xdd: {  	v59 =	vor.u32 $0x280, v1;
	s5 =	smov.u32 s24;
	[tilespmem:s9+$0x10980] =	vst v42;
	s16 =	sadd.s32 s3, s13;
	v36 =	vld.idx.msk [tilespmem:v52+s11+$0x0], $0xffff  }
0xde: {  	v60 =	vadd.s32 $0x4380, v2;
	v32 =	vld.idx.msk [tilespmem:v32+s11+$0x0], $0xffff;
	[tilespmem:s5+$0x10980] =	vst v40;
	s24 =	sadd.s32 $0x30, s16  }
0xdf: {  	[tilespmem:s8+$0x14800] =	vst v55;
	v30 =	vld.idx.msk [tilespmem:v30+s11+$0x0], $0xffff;
	s15 =	sor.u32 $0x200, s24  }
0xe0: {  	v2 =	vmov v29;
	s31 =	sor.u32 $0x200, s16;
	v29 =	vld.idx.msk [tilespmem:v7+s11+$0x0], $0xffff;
	[tilespmem:s15+$0x10800] =	vst v37  }
0xe1: {  	s14 =	sadd.s32 $0x4, s14;
	v61 =	vadd.s32 $0x4280, v0;
	s3 =	sadd.s32 $0x10, s16;
	[tilespmem:s31+$0x10800] =	vst v57;
	v37 =	vld.idx.msk [tilespmem:v58+s11+$0x0], $0xffff  }
0xe2: {  	s21 =	smov.u32 s18;
	s18 =	sadd.s32 $0x20, s16;
	s8 =	sor.u32 $0x200, s3;
	v39 =	vld.idx.msk [tilespmem:v59+s11+$0x0], $0xffff;
	[tilespmem:s19+$0x14800] =	vst v36  }
0xe3: {  	s17 =	sadd.s32 $0x40, s17;
	p1 =	slt.u32 s14, $0x7C;
	v62 =	vor.u32 $0x300, v2;
	s30 =	sor.u32 $0x200, s18;
	[tilespmem:s8+$0x10800] =	vst v32;
	v35 =	vld.idx.msk [tilespmem:v60+s11+$0x0], $0xffff  }
0xe4: {  	[dreg:$0x9] =	wrdreg s21;
	v63 =	vor.u32 $0x300, v1;
	s26 =	sor.u32 $0x280, s16;
	s23 =	sor.u32 $0x300, s16;
	v32 =	vld.idx.msk [tilespmem:v27+s11+$0x0], $0xffff;
	[tilespmem:s30+$0x10800] =	vst v30  }
.Ltmp2:
0xe5: {  	s28 =	sor.u32 $0x280, s18;
	v7 =	vmov v33;
	s22 =	sor.u32 $0x300, s18;
	[tilespmem:s20+$0x14800] =	vst v38;
	v33 =	vld.idx.msk [tilespmem:v28+s11+$0x0], $0xffff;
	(pc) =	sbr.rel @p1 .LBB2_3-.Ltmp2, $4  }
0xe6: {  	s10 =	sor.u32 $0x380, s18;
	s18 =	sor.u32 $0x380, s16;
	s16 =	sor.u32 $0x280, s24;
	[tilespmem:s7+$0x14800] =	vst v34;
	v28 =	vld.idx.msk [tilespmem:v61+s11+$0x0], $0xffff  }
0xe7: {  	s4 =	smov.u32 s29;
	s25 =	sor.u32 $0x280, s3;
	s21 =	sor.u32 $0x300, s3;
	v30 =	vld.idx.msk [tilespmem:v8+s11+$0x0], $0xffff;
	[tilespmem:s16+$0x10800] =	vst v37  }
0xe8: {  	s3 =	sor.u32 $0x380, s3;
	s20 =	smov.u32 s31;
	s31 =	rddreg [dreg:$0x10];
	v8 =	vmov v31;
	[tilespmem:s26+$0x10800] =	vst v39;
	v31 =	vld.idx.msk [tilespmem:v62+s11+$0x0], $0xffff  }
0xe9: {  	v9 =	vmov v53;
	v11 =	vmov v54;
	s7 =	smov.u32 s30;
	s30 =	smov.u32 s0;
	s0 =	rddreg [dreg:$0x13];
	v27 =	vld.idx.msk [tilespmem:v63+s11+$0x0], $0xffff;
	[tilespmem:s6+$0x14800] =	vst v35  }
0xea: {  	_ =	sdelay $0x2  }
0xeb: {  	[tilespmem:s25+$0x10800] =	vst v32  }
0xec: {  	v62 =	vor.u32 $0x380, v2;
	[tilespmem:s28+$0x10800] =	vst v33;
	v25 =	vld.idx.msk [tilespmem:v25+s11+$0x0], $0xffff  }
0xed: {  	v63 =	vor.u32 $0x380, v1;
	v26 =	vld.idx.msk [tilespmem:v26+s11+$0x0], $0xffff  }
0xee: {  	s1 =	sor.u32 $0x300, s24  }
0xef: {  	[tilespmem:s1+$0x10800] =	vst v31  }
0xf0: {  	[tilespmem:s23+$0x10800] =	vst v27  }
0xf1: {  	v31 =	vld.idx.msk [tilespmem:v62+s11+$0x0], $0xffff;
	[tilespmem:s21+$0x10800] =	vst v25  }
0xf2: {  	[tilespmem:s22+$0x10800] =	vst v26;
	v26 =	vld.idx.msk [tilespmem:v63+s11+$0x0], $0xffff  }
0xf3: {  	v25 =	vadd.s32 $0x4000, v2;
	v22 =	vld.idx.msk [tilespmem:v22+s11+$0x0], $0xffff  }
0xf4: {  	v27 =	vadd.s32 $0x4000, v1;
	v21 =	vld.idx.msk [tilespmem:v21+s11+$0x0], $0xffff  }
0xf5: {  	s6 =	sor.u32 $0x380, s24  }
0xf6: {  	[tilespmem:s6+$0x10800] =	vst v31  }
0xf7: {  	[tilespmem:s18+$0x10800] =	vst v26  }
0xf8: {  	v25 =	vld.idx.msk [tilespmem:v25+s11+$0x0], $0xffff;
	[tilespmem:s3+$0x10800] =	vst v22  }
0xf9: {  	[tilespmem:s10+$0x10800] =	vst v21;
	v21 =	vld.idx.msk [tilespmem:v27+s11+$0x0], $0xffff  }
0xfa: {  	v22 =	vadd.s32 $0x4080, v2;
	v19 =	vld.idx.msk [tilespmem:v19+s11+$0x0], $0xffff  }
0xfb: {  	v26 =	vadd.s32 $0x4080, v1;
	v18 =	vld.idx.msk [tilespmem:v18+s11+$0x0], $0xffff;
	_ =	sdelay $0x1  }
0xfc: {  	[tilespmem:s2+$0x14800] =	vst v25  }
0xfd: {  	[tilespmem:s4+$0x14800] =	vst v21  }
0xfe: {  	v22 =	vld.idx.msk [tilespmem:v22+s11+$0x0], $0xffff;
	[tilespmem:s9+$0x14800] =	vst v19  }
0xff: {  	[tilespmem:s5+$0x14800] =	vst v18;
	v18 =	vld.idx.msk [tilespmem:v26+s11+$0x0], $0xffff  }
0x100: {  	v19 =	vadd.s32 $0x4100, v2;
	v16 =	vld.idx.msk [tilespmem:v16+s11+$0x0], $0xffff  }
0x101: {  	v21 =	vadd.s32 $0x4100, v1;
	v15 =	vld.idx.msk [tilespmem:v15+s11+$0x0], $0xffff;
	_ =	sdelay $0x1  }
0x102: {  	[tilespmem:s2+$0x14880] =	vst v22  }
0x103: {  	[tilespmem:s4+$0x14880] =	vst v18  }
0x104: {  	v19 =	vld.idx.msk [tilespmem:v19+s11+$0x0], $0xffff;
	[tilespmem:s9+$0x14880] =	vst v16  }
0x105: {  	[tilespmem:s5+$0x14880] =	vst v15;
	v15 =	vld.idx.msk [tilespmem:v21+s11+$0x0], $0xffff  }
0x106: {  	v16 =	vadd.s32 $0x4180, v2;
	v14 =	vld.idx.msk [tilespmem:v14+s11+$0x0], $0xffff  }
0x107: {  	v18 =	vadd.s32 $0x4180, v1;
	v13 =	vld.idx.msk [tilespmem:v13+s11+$0x0], $0xffff;
	_ =	sdelay $0x1  }
0x108: {  	[tilespmem:s2+$0x14900] =	vst v19  }
0x109: {  	[tilespmem:s4+$0x14900] =	vst v15  }
0x10a: {  	v16 =	vld.idx.msk [tilespmem:v16+s11+$0x0], $0xffff;
	[tilespmem:s9+$0x14900] =	vst v14  }
0x10b: {  	[tilespmem:s5+$0x14900] =	vst v13;
	v13 =	vld.idx.msk [tilespmem:v18+s11+$0x0], $0xffff  }
0x10c: {  	v14 =	vadd.s32 $0x4200, v2;
	v10 =	vld.idx.msk [tilespmem:v10+s11+$0x0], $0xffff  }
0x10d: {  	v15 =	vadd.s32 $0x4200, v1;
	v12 =	vld.idx.msk [tilespmem:v12+s11+$0x0], $0xffff;
	_ =	sdelay $0x1  }
0x10e: {  	s13 =	rddreg [dreg:$0x7];
	[tilespmem:s2+$0x14980] =	vst v16  }
0x10f: {  	[tilespmem:s4+$0x14980] =	vst v13  }
0x110: {  	[tilespmem:s9+$0x14980] =	vst v10;
	v10 =	vld.idx.msk [tilespmem:v14+s11+$0x0], $0xffff  }
0x111: {  	[tilespmem:s5+$0x14980] =	vst v12;
	v12 =	vld.idx.msk [tilespmem:v15+s11+$0x0], $0xffff  }
0x112: {  	[tilespmem:s31+$0x14800] =	vst v30;
	v9 =	vld.idx.msk [tilespmem:v9+s11+$0x0], $0xffff  }
0x113: {  	[tilespmem:s0+$0x14800] =	vst v28;
	v14 =	vadd.s32 $0x4280, v2;
	v11 =	vld.idx.msk [tilespmem:v11+s11+$0x0], $0xffff  }
0x114: {  	[tilespmem:s13+$0x14800] =	vst v29;
	v15 =	vadd.s32 $0x4300, v0  }
0x115: {  	v5 =	vld.idx.msk [tilespmem:v5+s11+$0x0], $0xffff;
	[tilespmem:s15+$0x14800] =	vst v10  }
0x116: {  	[tilespmem:s20+$0x14800] =	vst v12  }
0x117: {  	v6 =	vld.idx.msk [tilespmem:v6+s11+$0x0], $0xffff;
	v13 =	vadd.s32 $0x4280, v1;
	[tilespmem:s8+$0x14800] =	vst v9  }
0x118: {  	v10 =	vld.idx.msk [tilespmem:v14+s11+$0x0], $0xffff;
	[tilespmem:s7+$0x14800] =	vst v11  }
0x119: {  	v11 =	vld.idx.msk [tilespmem:v15+s11+$0x0], $0xffff;
	s0 =	rddreg [dreg:$0xb]  }
0x11a: {  	v9 =	vadd.s32 $0x4300, v2;
	v7 =	vld.idx.msk [tilespmem:v7+s11+$0x0], $0xffff;
	[tilespmem:s0+$0x14800] =	vst v5  }
0x11b: {  	v8 =	vld.idx.msk [tilespmem:v8+s11+$0x0], $0xffff;
	s0 =	rddreg [dreg:$0xc]  }
0x11c: {  	v5 =	vld.idx.msk [tilespmem:v13+s11+$0x0], $0xffff;
	[tilespmem:s0+$0x14800] =	vst v6  }
0x11d: {  	v6 =	vadd.s32 $0x4300, v1;
	[tilespmem:s16+$0x14800] =	vst v10  }
0x11e: {  	v4 =	vld.idx.msk [tilespmem:v4+s11+$0x0], $0xffff;
	[tilespmem:s30+$0x14800] =	vst v11  }
0x11f: {  	v9 =	vld.idx.msk [tilespmem:v9+s11+$0x0], $0xffff;
	[tilespmem:s25+$0x14800] =	vst v7  }
0x120: {  	v2 =	vadd.s32 $0x4380, v2;
	[tilespmem:s28+$0x14800] =	vst v8;
	v7 =	vld.idx.msk [tilespmem:v23+s11+$0x0], $0xffff  }
0x121: {  	v0 =	vadd.s32 $0x4380, v0;
	v8 =	vld.idx.msk [tilespmem:v24+s11+$0x0], $0xffff;
	[tilespmem:s26+$0x14800] =	vst v5  }
0x122: {  	s0 =	rddreg [dreg:$0x6];
	v5 =	vld.idx.msk [tilespmem:v6+s11+$0x0], $0xffff  }
0x123: {  	[tilespmem:s0+$0x14800] =	vst v4  }
0x124: {  	v1 =	vadd.s32 $0x4380, v1;
	v3 =	vld.idx.msk [tilespmem:v3+s11+$0x0], $0xffff;
	[tilespmem:s1+$0x14800] =	vst v9  }
0x125: {  	v2 =	vld.idx.msk [tilespmem:v2+s11+$0x0], $0xffff;
	[tilespmem:s21+$0x14800] =	vst v7  }
0x126: {  	v0 =	vld.idx.msk [tilespmem:v0+s11+$0x0], $0xffff;
	[tilespmem:s22+$0x14800] =	vst v8  }
0x127: {  	v4 =	vld.idx.msk [tilespmem:v20+s11+$0x0], $0xffff;
	[tilespmem:s23+$0x14800] =	vst v5  }
0x128: {  	v5 =	vld.idx.msk [tilespmem:v17+s11+$0x0], $0xffff;
	s0 =	rddreg [dreg:$0x4]  }
0x129: {  	v1 =	vld.idx.msk [tilespmem:v1+s11+$0x0], $0xffff;
	[tilespmem:s0+$0x14800] =	vst v3  }
0x12a: {  	s0 =	rddreg [dreg:$0x9];
	[tilespmem:s6+$0x14800] =	vst v2  }
0x12b: {  	[tilespmem:s0+$0x14800] =	vst v0  }
0x12c: {  	[tilespmem:s3+$0x14800] =	vst v4  }
0x12d: {  	[tilespmem:s10+$0x14800] =	vst v5  }
0x12e: {  	[tilespmem:s18+$0x14800] =	vst v1  }
0x12f: {  	s0 =	rddreg [dreg:$0x16]  }
0x130: {  	s4 =	simm.s32 $0x10800;
	s3 =	rddreg [dreg:$0x1d]  }
0x131: {  	s26 =	simm.s32 $0x0;
	s5 =	rddreg [dreg:$0x1a];
	s0 =	sadd.s32 s3, s0  }
0x132: {  	[hbm4b:s0+s26] =	stream.linear.scatter [tilespmem:s4], [sflag:$0x3], $0x4000, $0x38;
	[tilespmem:$0x18800] =	vst v63  }
0x133: {  	s6 =	simm.s32 $0x14800;
	s7 =	rddreg [dreg:$0x1c];
	s0 =	sadd.s32 s5, s3  }
0x134: {  	[hbm4b:s0+s26] =	stream.linear.scatter [tilespmem:s6], [sflag:$0x4], $0x4000, $0x38;
	[tilespmem:$0x18800] =	vst v63  }
0x135: {  	s8 =	simm.s32 $0x2;
	p0 =	seq.s32 s7, $0xF;
	s0 =	rddreg [dreg:$0x17]  }
0x136: {  	s1 =	simm.s32 @!p0 $0x0;
	s2 =	simm.s32 @!p0 $0x800;
	s0 =	sadd.s32 @!p0 s3, s0  }
0x137: {  	[tilespmem:s2], [sflag:$0x1] =	stream.linear.gather @!p0 [hbm4b:s0+s1], $0x8000, $0x38;
	[tilespmem:$0x18800] =	vst v63  }
0x138: {  	_ =	swait.ge [sflag:s8], $0x8000  }
0x139: {  	[sflag:s8] =	ssyncset.done $0x0  }
0x13a: {  	s9 =	simm.s32 $0x3;
	[sflag:s8] =	ssyncadd.s32 $0xFFFF8000  }
0x13b: {  	_ =	swait.ge [sflag:s9], $0x4000  }
0x13c: {  	[sflag:s9] =	ssyncset.done $0x0  }
0x13d: {  	s13 =	simm.s32 $0x0;
	s10 =	simm.s32 $0x4;
	[sflag:s9] =	ssyncadd.s32 $0xFFFFC000  }
0x13e: {  	s14 =	sand.u32 $0x40, s13;
	_ =	swait.ge [sflag:s10], $0x4000  }
0x13f: {  	s15 =	sand.u32 $0x780, s13;
	s16 =	sor.u32 $0x30, s14;
	[sflag:s10] =	ssyncset.done $0x0  }
0x140: {  	s17 =	sor.u32 s16, s15;
	[sflag:s10] =	ssyncadd.s32 $0xFFFFC000  }
0x141: {  	v1 =	vld [tilespmem:s17+$0x0]  }
0x142: {  	s18 =	sor.u32 $0x10, s14;
	v0 =	vld [tilespmem:s13+$0x0]  }
0x143: {  	s19 =	sor.u32 $0x20, s14;
	s20 =	sor.u32 s18, s15  }
0x144: {  	s2 =	sor.u32 s19, s15;
	v2 =	vld [tilespmem:s20+$0x0]  }
0x145: {  	v3 =	vld [tilespmem:s2+$0x0]  }
0x146: {  	v5 =	vshll.u32 v1, $0x3  }
0x147: {  	v4 =	vshll.u32 v0, $0x3;
	v1 =	vand.u32 $0x7F, v1;
	v5 =	vand.u32 $0xFFFFFC00, v5  }
0x148: {  	v0 =	vand.u32 $0x7F, v0;
	v4 =	vand.u32 $0xFFFFFC00, v4;
	v5 =	vor.u32 v1, v5  }
0x149: {  	v0 =	vor.u32 v0, v4;
	v4 =	vshll.u32 v2, $0x3  }
0x14a: {  	v2 =	vand.u32 $0x7F, v2;
	v1 =	vand.u32 $0xFFFFFC00, v4;
	v4 =	vshll.u32 v3, $0x3  }
0x14b: {  	v6 =	vand.u32 $0xFFFFFC00, v4;
	v4 =	vor.u32 v2, v1  }
0x14c: {  	v3 =	vand.u32 $0x7F, v3  }
0x14d: {  	v3 =	vor.u32 v3, v6;
	v1 =	vld.idx.msk [tilespmem:v5+s12+$0x0], $0xffff  }
0x14e: {  	v6 =	vor.u32 $0x80, v5;
	v2 =	vld.idx.msk [tilespmem:v0+s12+$0x0], $0xffff  }
0x14f: {  	v7 =	vor.u32 $0x80, v0  }
0x150: {  	s0 =	sand.u32 $0x3C00, s13;
	v8 =	vld.idx.msk [tilespmem:v4+s12+$0x0], $0xffff  }
0x151: {  	s15 =	sor.u32 s0, s16;
	v9 =	vor.u32 $0x80, v4  }
0x152: {  	s6 =	sor.u32 s14, s0;
	v10 =	vld.idx.msk [tilespmem:v3+s12+$0x0], $0xffff;
	[tilespmem:s15+$0x10800] =	vst v1  }
0x153: {  	v11 =	vor.u32 $0x80, v3;
	[tilespmem:s6+$0x10800] =	vst v2;
	v1 =	vld.idx.msk [tilespmem:v6+s12+$0x0], $0xffff  }
0x154: {  	s8 =	sor.u32 s0, s18;
	v2 =	vld.idx.msk [tilespmem:v7+s12+$0x0], $0xffff;
	v6 =	vor.u32 $0x100, v5  }
0x155: {  	v7 =	vor.u32 $0x100, v0;
	[tilespmem:s8+$0x10800] =	vst v8  }
0x156: {  	s7 =	sor.u32 s0, s19;
	v8 =	vld.idx.msk [tilespmem:v9+s12+$0x0], $0xffff  }
0x157: {  	[tilespmem:s7+$0x10800] =	vst v10;
	v9 =	vor.u32 $0x100, v4  }
0x158: {  	v10 =	vld.idx.msk [tilespmem:v11+s12+$0x0], $0xffff;
	[tilespmem:s15+$0x10880] =	vst v1  }
0x159: {  	v11 =	vor.u32 $0x100, v3;
	[tilespmem:s6+$0x10880] =	vst v2;
	v1 =	vld.idx.msk [tilespmem:v6+s12+$0x0], $0xffff  }
0x15a: {  	v2 =	vld.idx.msk [tilespmem:v7+s12+$0x0], $0xffff;
	v6 =	vor.u32 $0x180, v5  }
0x15b: {  	v7 =	vor.u32 $0x180, v0;
	[tilespmem:s8+$0x10880] =	vst v8  }
0x15c: {  	v8 =	vld.idx.msk [tilespmem:v9+s12+$0x0], $0xffff  }
0x15d: {  	[tilespmem:s7+$0x10880] =	vst v10;
	v9 =	vor.u32 $0x180, v4  }
0x15e: {  	v10 =	vld.idx.msk [tilespmem:v11+s12+$0x0], $0xffff;
	[tilespmem:s15+$0x10900] =	vst v1  }
0x15f: {  	v11 =	vor.u32 $0x180, v3;
	[tilespmem:s6+$0x10900] =	vst v2;
	v1 =	vld.idx.msk [tilespmem:v6+s12+$0x0], $0xffff  }
0x160: {  	v2 =	vld.idx.msk [tilespmem:v7+s12+$0x0], $0xffff;
	v6 =	vor.u32 $0x200, v5  }
0x161: {  	v7 =	vor.u32 $0x200, v0;
	[tilespmem:s8+$0x10900] =	vst v8  }
0x162: {  	v8 =	vld.idx.msk [tilespmem:v9+s12+$0x0], $0xffff  }
0x163: {  	[tilespmem:s7+$0x10900] =	vst v10;
	v9 =	vor.u32 $0x200, v4  }
0x164: {  	p1 =	por $0x0, $0x0;
	s0 =	simm.s32 $0x1;
	v10 =	vld.idx.msk [tilespmem:v11+s12+$0x0], $0xffff;
	[tilespmem:s15+$0x10980] =	vst v1  }
0x165: {  	s0 =	simm.s32 @!p1 $0x0;
	v11 =	vor.u32 $0x200, v3;
	[tilespmem:s6+$0x10980] =	vst v2;
	v1 =	vld.idx.msk [tilespmem:v6+s12+$0x0], $0xffff  }
0x166: {  	s0 =	sshll.u32 s0, $0x6;
	v2 =	vld.idx.msk [tilespmem:v7+s12+$0x0], $0xffff;
	v6 =	vor.u32 $0x280, v5  }
0x167: {  	s2 =	sadd.s32 $0x0, s0;
	v7 =	vor.u32 $0x280, v0;
	[tilespmem:s8+$0x10980] =	vst v8  }
0x168: {  	s21 =	sadd.s32 $0x30, s2;
	v8 =	vld.idx.msk [tilespmem:v9+s12+$0x0], $0xffff  }
0x169: {  	s19 =	sor.u32 $0x200, s21;
	[tilespmem:s7+$0x10980] =	vst v10;
	v9 =	vor.u32 $0x280, v4  }
0x16a: {  	s3 =	sor.u32 $0x200, s2;
	v10 =	vld.idx.msk [tilespmem:v11+s12+$0x0], $0xffff;
	[tilespmem:s19+$0x10800] =	vst v1  }
0x16b: {  	s22 =	sadd.s32 $0x10, s2;
	v11 =	vor.u32 $0x280, v3;
	[tilespmem:s3+$0x10800] =	vst v2;
	v1 =	vld.idx.msk [tilespmem:v6+s12+$0x0], $0xffff  }
0x16c: {  	s16 =	sor.u32 $0x200, s22;
	v2 =	vld.idx.msk [tilespmem:v7+s12+$0x0], $0xffff;
	v6 =	vor.u32 $0x300, v5  }
0x16d: {  	s13 =	sadd.s32 $0x20, s2;
	v7 =	vor.u32 $0x300, v0;
	[tilespmem:s16+$0x10800] =	vst v8  }
0x16e: {  	s10 =	sor.u32 $0x200, s13;
	v8 =	vld.idx.msk [tilespmem:v9+s12+$0x0], $0xffff  }
0x16f: {  	s18 =	sor.u32 $0x280, s21;
	[tilespmem:s10+$0x10800] =	vst v10;
	v9 =	vor.u32 $0x300, v4  }
0x170: {  	s0 =	sor.u32 $0x280, s2;
	v10 =	vld.idx.msk [tilespmem:v11+s12+$0x0], $0xffff;
	[tilespmem:s18+$0x10800] =	vst v1  }
0x171: {  	v11 =	vor.u32 $0x300, v3;
	[tilespmem:s0+$0x10800] =	vst v2;
	v1 =	vld.idx.msk [tilespmem:v6+s12+$0x0], $0xffff  }
0x172: {  	s31 =	sor.u32 $0x280, s22;
	v2 =	vld.idx.msk [tilespmem:v7+s12+$0x0], $0xffff;
	v6 =	vor.u32 $0x380, v5  }
0x173: {  	v7 =	vor.u32 $0x380, v0;
	[tilespmem:s31+$0x10800] =	vst v8  }
0x174: {  	s1 =	simm.s32 $0x40;
	s29 =	sor.u32 $0x280, s13;
	v8 =	vld.idx.msk [tilespmem:v9+s12+$0x0], $0xffff  }
0x175: {  	v12 =	vld [tilespmem:s1+$0x0];
	s17 =	sor.u32 $0x300, s21;
	[tilespmem:s29+$0x10800] =	vst v10;
	v9 =	vor.u32 $0x380, v4  }
0x176: {  	s30 =	sor.u32 $0x300, s2;
	v10 =	vld.idx.msk [tilespmem:v11+s12+$0x0], $0xffff;
	[tilespmem:s17+$0x10800] =	vst v1  }
0x177: {  	s23 =	sor.u32 $0x300, s22;
	[tilespmem:s30+$0x10800] =	vst v2;
	v1 =	vld.idx.msk [tilespmem:v6+s12+$0x0], $0xffff  }
0x178: {  	s4 =	sand.u32 $0x40, s1;
	s25 =	sand.u32 $0x780, s1;
	v11 =	vor.u32 $0x380, v3;
	v2 =	vld.idx.msk [tilespmem:v7+s12+$0x0], $0xffff;
	[dreg:$0xd] =	wrdreg s23  }
0x179: {  	s5 =	sor.u32 $0x10, s4;
	s9 =	sor.u32 $0x20, s4;
	s24 =	sor.u32 $0x300, s13;
	[tilespmem:s23+$0x10800] =	vst v8  }
0x17a: {  	s20 =	sor.u32 $0x30, s4;
	v6 =	vadd.s32 $0x4000, v5;
	s23 =	sor.u32 s5, s25;
	v7 =	vld.idx.msk [tilespmem:v9+s12+$0x0], $0xffff;
	[dreg:$0xe] =	wrdreg s24  }
0x17b: {  	s26 =	sor.u32 s20, s25;
	s25 =	sor.u32 s9, s25;
	v13 =	vld [tilespmem:s23+$0x0]  }
0x17c: {  	v8 =	vadd.s32 $0x4000, v4;
	[tilespmem:s24+$0x10800] =	vst v10;
	v15 =	vld [tilespmem:s25+$0x0]  }
0x17d: {  	s14 =	sor.u32 $0x380, s21;
	v9 =	vld.idx.msk [tilespmem:v11+s12+$0x0], $0xffff  }
0x17e: {  	v10 =	vadd.s32 $0x4000, v3;
	s24 =	sor.u32 $0x380, s22;
	v11 =	vld [tilespmem:s26+$0x0];
	[tilespmem:s14+$0x10800] =	vst v1  }
0x17f: {  	v6 =	vld.idx.msk [tilespmem:v6+s12+$0x0], $0xffff;
	[dreg:$0x8] =	wrdreg s24  }
0x180: {  	s13 =	sor.u32 $0x380, s13;
	v14 =	vadd.s32 $0x4000, v0;
	v1 =	vshll.u32 v12, $0x3;
	[tilespmem:s24+$0x10800] =	vst v7  }
0x181: {  	v12 =	vand.u32 $0x7F, v12;
	v1 =	vand.u32 $0xFFFFFC00, v1;
	v7 =	vadd.s32 $0x4080, v5;
	v8 =	vld.idx.msk [tilespmem:v8+s12+$0x0], $0xffff;
	[dreg:$0x5] =	wrdreg s13  }
0x182: {  	s2 =	sor.u32 $0x380, s2;
	v1 =	vor.u32 v12, v1;
	[tilespmem:s13+$0x10800] =	vst v9  }
0x183: {  	v9 =	vadd.s32 $0x4080, v4;
	v12 =	vshll.u32 v11, $0x3;
	v10 =	vld.idx.msk [tilespmem:v10+s12+$0x0], $0xffff;
	[dreg:$0xa] =	wrdreg s2  }
0x184: {  	v16 =	vadd.s32 $0x4080, v3;
	[tilespmem:s2+$0x10800] =	vst v2;
	v2 =	vand.u32 $0x7F, v11;
	v11 =	vand.u32 $0xFFFFFC00, v12  }
0x185: {  	[tilespmem:s15+$0x14800] =	vst v6;
	v12 =	vld.idx.msk [tilespmem:v14+s12+$0x0], $0xffff;
	v2 =	vor.u32 v2, v11  }
0x186: {  	v6 =	vadd.s32 $0x4080, v0;
	v14 =	vshll.u32 v13, $0x3;
	v7 =	vld.idx.msk [tilespmem:v7+s12+$0x0], $0xffff;
	v13 =	vand.u32 $0x7F, v13  }
0x187: {  	v18 =	vld.idx.msk [tilespmem:v1+s12+$0x0], $0xffff;
	v11 =	vand.u32 $0xFFFFFC00, v14;
	v14 =	vshll.u32 v15, $0x3;
	[tilespmem:s8+$0x14800] =	vst v8;
	v8 =	vadd.s32 $0x4100, v5  }
0x188: {  	v15 =	vand.u32 $0x7F, v15;
	v14 =	vand.u32 $0xFFFFFC00, v14;
	v17 =	vor.u32 v13, v11;
	v9 =	vld.idx.msk [tilespmem:v9+s12+$0x0], $0xffff;
	[tilespmem:s7+$0x14800] =	vst v10  }
0x189: {  	v27 =	vor.u32 v15, v14;
	v10 =	vld.idx.msk [tilespmem:v16+s12+$0x0], $0xffff  }
0x18a: {  	v11 =	vadd.s32 $0x4100, v4;
	[tilespmem:s6+$0x14800] =	vst v12;
	v12 =	vld.idx.msk [tilespmem:v2+s12+$0x0], $0xffff  }
0x18b: {  	v14 =	vor.u32 $0x80, v1;
	[tilespmem:s15+$0x14880] =	vst v7;
	v6 =	vld.idx.msk [tilespmem:v6+s12+$0x0], $0xffff  }
0x18c: {  	s13 =	simm.s32 $0x200;
	v13 =	vadd.s32 $0x4100, v3;
	v8 =	vld.idx.msk [tilespmem:v8+s12+$0x0], $0xffff  }
0x18d: {  	s26 =	sand.u32 $0x3C00, s13;
	v7 =	vor.u32 $0x80, v2;
	v15 =	vld.idx.msk [tilespmem:v17+s12+$0x0], $0xffff  }
0x18e: {  	s4 =	sor.u32 s4, s26;
	[tilespmem:s8+$0x14880] =	vst v9;
	v9 =	vadd.s32 $0x4180, v5;
	v16 =	vld.idx.msk [tilespmem:v27+s12+$0x0], $0xffff  }
0x18f: {  	v19 =	vor.u32 $0x80, v17;
	[tilespmem:s4+$0x10800] =	vst v18;
	v11 =	vld.idx.msk [tilespmem:v11+s12+$0x0], $0xffff  }
0x190: {  	s2 =	sor.u32 s26, s20;
	v14 =	vld.idx.msk [tilespmem:v14+s12+$0x0], $0xffff;
	[tilespmem:s7+$0x14880] =	vst v10;
	v10 =	vor.u32 $0x80, v27  }
0x191: {  	[tilespmem:s2+$0x10800] =	vst v12;
	v12 =	vld.idx.msk [tilespmem:v13+s12+$0x0], $0xffff;
	v13 =	vadd.s32 $0x4100, v0  }
0x192: {  	s5 =	sor.u32 s26, s5;
	v18 =	vadd.s32 $0x4180, v4;
	v7 =	vld.idx.msk [tilespmem:v7+s12+$0x0], $0xffff;
	[tilespmem:s15+$0x14900] =	vst v8  }
0x193: {  	s9 =	sor.u32 s26, s9;
	v8 =	vor.u32 $0x100, v2;
	[tilespmem:s5+$0x10800] =	vst v15;
	v9 =	vld.idx.msk [tilespmem:v9+s12+$0x0], $0xffff  }
0x194: {  	v15 =	vor.u32 $0x100, v1;
	v19 =	vld.idx.msk [tilespmem:v19+s12+$0x0], $0xffff;
	[tilespmem:s9+$0x10800] =	vst v16  }
0x195: {  	[tilespmem:s6+$0x14880] =	vst v6;
	v6 =	vadd.s32 $0x4200, v5;
	v10 =	vld.idx.msk [tilespmem:v10+s12+$0x0], $0xffff  }
0x196: {  	v16 =	vor.u32 $0x100, v17;
	[tilespmem:s8+$0x14900] =	vst v11;
	v13 =	vld.idx.msk [tilespmem:v13+s12+$0x0], $0xffff  }
0x197: {  	v11 =	vor.u32 $0x100, v27;
	[tilespmem:s2+$0x10880] =	vst v7;
	v7 =	vld.idx.msk [tilespmem:v18+s12+$0x0], $0xffff  }
0x198: {  	[tilespmem:s4+$0x10880] =	vst v14;
	v18 =	vadd.s32 $0x4180, v3;
	v8 =	vld.idx.msk [tilespmem:v8+s12+$0x0], $0xffff  }
0x199: {  	v14 =	vld.idx.msk [tilespmem:v15+s12+$0x0], $0xffff;
	v15 =	vadd.s32 $0x4180, v0;
	[tilespmem:s15+$0x14980] =	vst v9  }
0x19a: {  	v9 =	vor.u32 $0x180, v2;
	[tilespmem:s5+$0x10880] =	vst v19;
	v6 =	vld.idx.msk [tilespmem:v6+s12+$0x0], $0xffff  }
0x19b: {  	v19 =	vor.u32 $0x180, v1;
	v16 =	vld.idx.msk [tilespmem:v16+s12+$0x0], $0xffff;
	[tilespmem:s9+$0x10880] =	vst v10  }
0x19c: {  	[tilespmem:s7+$0x14900] =	vst v12;
	v10 =	vld.idx.msk [tilespmem:v11+s12+$0x0], $0xffff;
	v11 =	vadd.s32 $0x4280, v5  }
0x19d: {  	v12 =	vor.u32 $0x180, v17;
	[tilespmem:s6+$0x14900] =	vst v13;
	v13 =	vld.idx.msk [tilespmem:v18+s12+$0x0], $0xffff  }
0x19e: {  	v18 =	vor.u32 $0x180, v27;
	[tilespmem:s2+$0x10900] =	vst v8;
	v8 =	vld.idx.msk [tilespmem:v15+s12+$0x0], $0xffff  }
0x19f: {  	v15 =	vadd.s32 $0x4200, v4;
	[tilespmem:s4+$0x10900] =	vst v14;
	v9 =	vld.idx.msk [tilespmem:v9+s12+$0x0], $0xffff  }
0x1a0: {  	v14 =	vadd.s32 $0x4200, v3;
	v19 =	vld.idx.msk [tilespmem:v19+s12+$0x0], $0xffff;
	[tilespmem:s19+$0x14800] =	vst v6  }
0x1a1: {  	v6 =	vor.u32 $0x200, v2;
	[tilespmem:s5+$0x10900] =	vst v16;
	v11 =	vld.idx.msk [tilespmem:v11+s12+$0x0], $0xffff  }
0x1a2: {  	v16 =	vor.u32 $0x200, v1;
	v12 =	vld.idx.msk [tilespmem:v12+s12+$0x0], $0xffff;
	[tilespmem:s9+$0x10900] =	vst v10  }
0x1a3: {  	[tilespmem:s8+$0x14980] =	vst v7;
	v7 =	vadd.s32 $0x4300, v5;
	v10 =	vld.idx.msk [tilespmem:v18+s12+$0x0], $0xffff  }
0x1a4: {  	v18 =	vor.u32 $0x200, v17;
	[tilespmem:s7+$0x14980] =	vst v13;
	v15 =	vld.idx.msk [tilespmem:v15+s12+$0x0], $0xffff  }
0x1a5: {  	v13 =	vor.u32 $0x200, v27;
	[tilespmem:s2+$0x10980] =	vst v9;
	v9 =	vld.idx.msk [tilespmem:v14+s12+$0x0], $0xffff  }
0x1a6: {  	[tilespmem:s4+$0x10980] =	vst v19;
	v14 =	vadd.s32 $0x4200, v0;
	v6 =	vld.idx.msk [tilespmem:v6+s12+$0x0], $0xffff  }
0x1a7: {  	p1 =	por !p1, !p1;
	s7 =	simm.s32 $0x1;
	v19 =	vadd.s32 $0x4280, v4;
	v16 =	vld.idx.msk [tilespmem:v16+s12+$0x0], $0xffff;
	[tilespmem:s18+$0x14800] =	vst v11  }
0x1a8: {  	v23 =	vadd.s32 $0x4280, v3;
	s7 =	simm.s32 @!p1 $0x0;
	[tilespmem:s5+$0x10980] =	vst v12;
	v7 =	vld.idx.msk [tilespmem:v7+s12+$0x0], $0xffff  }
0x1a9: {  	s7 =	sshll.u32 s7, $0x6;
	v11 =	vor.u32 $0x280, v2;
	v18 =	vld.idx.msk [tilespmem:v18+s12+$0x0], $0xffff;
	[tilespmem:s9+$0x10980] =	vst v10  }
0x1aa: {  	[tilespmem:s6+$0x14980] =	vst v8;
	s18 =	sadd.s32 $0x200, s7;
	v12 =	vor.u32 $0x280, v1;
	v10 =	vld.idx.msk [tilespmem:v13+s12+$0x0], $0xffff  }
0x1ab: {  	v8 =	vadd.s32 $0x4380, v5;
	s24 =	sadd.s32 $0x30, s18;
	[tilespmem:s16+$0x14800] =	vst v15;
	v20 =	vld.idx.msk [tilespmem:v14+s12+$0x0], $0xffff  }
0x1ac: {  	v28 =	vadd.s32 $0x4280, v0;
	v13 =	vor.u32 $0x280, v17;
	s15 =	sor.u32 $0x200, s24;
	v29 =	vld.idx.msk [tilespmem:v19+s12+$0x0], $0xffff;
	[tilespmem:s10+$0x14800] =	vst v9  }
0x1ad: {  	v35 =	vor.u32 $0x300, v1;
	v31 =	vor.u32 $0x300, v2;
	s20 =	sor.u32 $0x200, s18;
	v14 =	vor.u32 $0x280, v27;
	[tilespmem:s15+$0x10800] =	vst v6;
	v30 =	vld.idx.msk [tilespmem:v23+s12+$0x0], $0xffff  }
0x1ae: {  	v25 =	vor.u32 $0x300, v17;
	v22 =	vor.u32 $0x380, v17;
	v26 =	vor.u32 $0x300, v27;
	s22 =	sadd.s32 $0x10, s18;
	[tilespmem:s20+$0x10800] =	vst v16;
	v11 =	vld.idx.msk [tilespmem:v11+s12+$0x0], $0xffff  }
0x1af: {  	v21 =	vor.u32 $0x380, v27;
	v5 =	vadd.s32 $0x4300, v4;
	v4 =	vadd.s32 $0x4380, v4;
	s23 =	sadd.s32 $0x20, s18;
	s8 =	sor.u32 $0x200, s22;
	v24 =	vld.idx.msk [tilespmem:v12+s12+$0x0], $0xffff;
	[tilespmem:s17+$0x14800] =	vst v7  }
0x1b0: {  	s7 =	sor.u32 $0x200, s23;
	v15 =	vadd.s32 $0x4080, v17;
	v19 =	vadd.s32 $0x4000, v17;
	v9 =	vadd.s32 $0x4200, v17;
	[tilespmem:s8+$0x10800] =	vst v18;
	v34 =	vld.idx.msk [tilespmem:v8+s12+$0x0], $0xffff  }
0x1b1: {  	v6 =	vadd.s32 $0x4300, v3;
	v3 =	vadd.s32 $0x4380, v3;
	v16 =	vadd.s32 $0x4080, v27;
	v32 =	vld.idx.msk [tilespmem:v13+s12+$0x0], $0xffff;
	[tilespmem:s7+$0x10800] =	vst v10  }
0x1b2: {  	s25 =	sor.u32 $0x280, s18;
	s19 =	sor.u32 $0x380, s18;
	s16 =	sor.u32 $0x280, s24;
	v23 =	vadd.s32 $0x4300, v17;
	v12 =	vadd.s32 $0x4180, v27;
	v18 =	vadd.s32 $0x4000, v27;
	v33 =	vld.idx.msk [tilespmem:v14+s12+$0x0], $0xffff;
	[tilespmem:s3+$0x14800] =	vst v20  }
0x1b3: {  	s26 =	sor.u32 $0x280, s22;
	s21 =	sor.u32 $0x300, s22;
	s28 =	sor.u32 $0x280, s23;
	v7 =	vadd.s32 $0x4280, v17;
	v13 =	vadd.s32 $0x4100, v17;
	v10 =	vadd.s32 $0x4180, v17;
	v28 =	vld.idx.msk [tilespmem:v28+s12+$0x0], $0xffff;
	[tilespmem:s16+$0x10800] =	vst v11  }
0x1b4: {  	s10 =	sor.u32 $0x380, s23;
	s17 =	simm.s32 $0x80;
	v8 =	vadd.s32 $0x4280, v27;
	v14 =	vadd.s32 $0x4100, v27;
	s3 =	sor.u32 $0x380, s22;
	v20 =	vadd.s32 $0x4380, v17;
	[tilespmem:s25+$0x10800] =	vst v24;
	v31 =	vld.idx.msk [tilespmem:v31+s12+$0x0], $0xffff  }
0x1b5: {  	s22 =	sor.u32 $0x300, s23;
	s23 =	sor.u32 $0x300, s18;
	v17 =	vadd.s32 $0x4380, v27;
	v11 =	vadd.s32 $0x4200, v27;
	v24 =	vadd.s32 $0x4300, v27;
	v27 =	vld.idx.msk [tilespmem:v35+s12+$0x0], $0xffff;
	[tilespmem:s14+$0x14800] =	vst v34;
	s14 =	simm.s32 $0x4  }
.LBB2_5:
0x1b6: {  	v35 =	vor.u32 $0x380, v1  }
0x1b7: {  	[tilespmem:s28+$0x10800] =	vst v33  }
0x1b8: {  	v34 =	vld [tilespmem:s17+$0x0];
	[tilespmem:s26+$0x10800] =	vst v32  }
0x1b9: {  	v56 =	vadd.s32 $0x4300, v0;
	v26 =	vld.idx.msk [tilespmem:v26+s12+$0x0], $0xffff;
	[tilespmem:s29+$0x14800] =	vst v30  }
0x1ba: {  	v55 =	vor.u32 $0x380, v2;
	[tilespmem:s23+$0x10800] =	vst v27;
	v25 =	vld.idx.msk [tilespmem:v25+s12+$0x0], $0xffff  }
0x1bb: {  	s18 =	sor.u32 $0x300, s24;
	[tilespmem:s31+$0x14800] =	vst v29;
	v27 =	vld.idx.msk [tilespmem:v35+s12+$0x0], $0xffff  }
0x1bc: {  	s6 =	smov.u32 s26;
	[tilespmem:s18+$0x10800] =	vst v31;
	v29 =	vld.idx.msk [tilespmem:v5+s12+$0x0], $0xffff  }
0x1bd: {  	[dreg:$0xf] =	wrdreg s6;
	[tilespmem:s0+$0x14800] =	vst v28;
	v5 =	vmov v23;
	v23 =	vld.idx.msk [tilespmem:v6+s12+$0x0], $0xffff  }
0x1be: {  	s6 =	rddreg [dreg:$0xd];
	s26 =	smov.u32 s28;
	v28 =	vld.idx.msk [tilespmem:v56+s12+$0x0], $0xffff;
	[tilespmem:s22+$0x10800] =	vst v26  }
0x1bf: {  	s1 =	sadd.s32 $0x40, s1;
	[dreg:$0x12] =	wrdreg s26;
	s26 =	smov.u32 s25;
	v6 =	vmov v24;
	v24 =	vld.idx.msk [tilespmem:v55+s12+$0x0], $0xffff;
	[tilespmem:s21+$0x10800] =	vst v25  }
0x1c0: {  	s29 =	sand.u32 $0x780, s1;
	s25 =	sand.u32 $0x40, s1;
	[dreg:$0x11] =	wrdreg s26;
	v25 =	vadd.s32 $0x4000, v2;
	v21 =	vld.idx.msk [tilespmem:v21+s12+$0x0], $0xffff;
	[tilespmem:s19+$0x10800] =	vst v27  }
0x1c1: {  	s26 =	sor.u32 $0x30, s25;
	v22 =	vld.idx.msk [tilespmem:v22+s12+$0x0], $0xffff;
	[tilespmem:s6+$0x14800] =	vst v29;
	s6 =	sor.u32 $0x380, s24;
	s24 =	rddreg [dreg:$0xe]  }
0x1c2: {  	s28 =	sor.u32 $0x10, s25;
	s0 =	sor.u32 s26, s29;
	v26 =	vld.idx.msk [tilespmem:v4+s12+$0x0], $0xffff;
	[tilespmem:s24+$0x14800] =	vst v23;
	s24 =	sor.u32 $0x20, s25  }
0x1c3: {  	[tilespmem:s30+$0x14800] =	vst v28;
	v4 =	vmov v20;
	v20 =	vld [tilespmem:s0+$0x0];
	s0 =	smov.u32 s21;
	s21 =	sor.u32 s28, s29;
	s29 =	sor.u32 s24, s29  }
0x1c4: {  	[tilespmem:s6+$0x10800] =	vst v24;
	v23 =	vadd.s32 $0x4000, v1;
	v28 =	vld [tilespmem:s29+$0x0]  }
0x1c5: {  	v24 =	vld.idx.msk [tilespmem:v25+s12+$0x0], $0xffff  }
0x1c6: {  	v27 =	vshll.u32 v34, $0x3;
	v25 =	vld [tilespmem:s21+$0x0];
	[tilespmem:s10+$0x10800] =	vst v21;
	v21 =	vadd.s32 $0x4380, v0  }
0x1c7: {  	v29 =	vand.u32 $0x7F, v34;
	v27 =	vand.u32 $0xFFFFFC00, v27;
	[tilespmem:s3+$0x10800] =	vst v22;
	v22 =	vadd.s32 $0x4080, v2;
	v18 =	vld.idx.msk [tilespmem:v18+s12+$0x0], $0xffff  }
0x1c8: {  	v0 =	vmov v1;
	v1 =	vor.u32 v29, v27;
	s21 =	rddreg [dreg:$0x8];
	v19 =	vld.idx.msk [tilespmem:v19+s12+$0x0], $0xffff  }
0x1c9: {  	[tilespmem:s21+$0x14800] =	vst v26;
	v23 =	vld.idx.msk [tilespmem:v23+s12+$0x0], $0xffff  }
0x1ca: {  	v26 =	vshll.u32 v20, $0x3;
	[tilespmem:s2+$0x14800] =	vst v24;
	v24 =	vld.idx.msk [tilespmem:v3+s12+$0x0], $0xffff  }
0x1cb: {  	v31 =	vadd.s32 $0x4080, v0;
	v20 =	vand.u32 $0x7F, v20;
	v26 =	vand.u32 $0xFFFFFC00, v26;
	v59 =	vld.idx.msk [tilespmem:v21+s12+$0x0], $0xffff  }
0x1cc: {  	v29 =	vor.u32 v20, v26;
	v27 =	vshll.u32 v25, $0x3;
	v20 =	vld.idx.msk [tilespmem:v22+s12+$0x0], $0xffff;
	[tilespmem:s9+$0x14800] =	vst v18  }
0x1cd: {  	v3 =	vmovc v17;
	v36 =	vld.idx.msk [tilespmem:v1+s12+$0x0], $0xffff;
	v17 =	vand.u32 $0xFFFFFC00, v27;
	v22 =	vand.u32 $0x7F, v25;
	[tilespmem:s5+$0x14800] =	vst v19;
	v19 =	vadd.s32 $0x4100, v2  }
0x1ce: {  	s31 =	smov.u32 s23;
	s23 =	rddreg [dreg:$0x5];
	v27 =	vshll.u32 v28, $0x3;
	v17 =	vor.u32 v22, v17;
	[tilespmem:s4+$0x14800] =	vst v23;
	v23 =	vld.idx.msk [tilespmem:v16+s12+$0x0], $0xffff  }
0x1cf: {  	[dreg:$0xd] =	wrdreg s0;
	s0 =	smov.u32 s22;
	s22 =	smov.u32 s3;
	v58 =	vor.u32 $0x80, v1;
	v25 =	vand.u32 $0x7F, v28;
	v26 =	vand.u32 $0xFFFFFC00, v27;
	v41 =	vld.idx.msk [tilespmem:v15+s12+$0x0], $0xffff  }
0x1d0: {  	s13 =	sadd.s32 $0x200, s13;
	[dreg:$0x8] =	wrdreg s22;
	v37 =	vor.u32 v25, v26;
	v46 =	vld.idx.msk [tilespmem:v31+s12+$0x0], $0xffff;
	[tilespmem:s23+$0x14800] =	vst v24  }
0x1d1: {  	s22 =	sand.u32 $0x3C00, s13;
	s3 =	smov.u32 s10;
	s10 =	rddreg [dreg:$0xa];
	v45 =	vld.idx.msk [tilespmem:v29+s12+$0x0], $0xffff;
	[tilespmem:s2+$0x14880] =	vst v20  }
0x1d2: {  	s29 =	sor.u32 s25, s22;
	[tilespmem:s10+$0x14800] =	vst v59;
	v47 =	vld.idx.msk [tilespmem:v19+s12+$0x0], $0xffff  }
0x1d3: {  	v20 =	vor.u32 $0x80, v29;
	[tilespmem:s29+$0x10800] =	vst v36;
	v48 =	vld.idx.msk [tilespmem:v17+s12+$0x0], $0xffff  }
0x1d4: {  	v57 =	vadd.s32 $0x4100, v0;
	v35 =	vld.idx.msk [tilespmem:v58+s12+$0x0], $0xffff;
	[tilespmem:s5+$0x14880] =	vst v41  }
0x1d5: {  	v60 =	vadd.s32 $0x4180, v2;
	v49 =	vld.idx.msk [tilespmem:v37+s12+$0x0], $0xffff;
	[tilespmem:s9+$0x14880] =	vst v23  }
0x1d6: {  	[dreg:$0xe] =	wrdreg s0;
	s0 =	sor.u32 s22, s26;
	v38 =	vor.u32 $0x80, v17;
	[tilespmem:s4+$0x14880] =	vst v46;
	v52 =	vld.idx.msk [tilespmem:v13+s12+$0x0], $0xffff  }
0x1d7: {  	v40 =	vor.u32 $0x80, v37;
	[tilespmem:s0+$0x10800] =	vst v45;
	v61 =	vld.idx.msk [tilespmem:v14+s12+$0x0], $0xffff  }
0x1d8: {  	s23 =	sor.u32 s22, s28;
	v62 =	vld.idx.msk [tilespmem:v20+s12+$0x0], $0xffff;
	[tilespmem:s2+$0x14900] =	vst v47  }
0x1d9: {  	v34 =	vld.idx.msk [tilespmem:v57+s12+$0x0], $0xffff;
	[tilespmem:s23+$0x10800] =	vst v48;
	v48 =	vor.u32 $0x100, v1  }
0x1da: {  	s24 =	sor.u32 s22, s24;
	v63 =	vor.u32 $0x100, v29;
	[tilespmem:s29+$0x10880] =	vst v35;
	v41 =	vld.idx.msk [tilespmem:v60+s12+$0x0], $0xffff  }
0x1db: {  	v38 =	vld.idx.msk [tilespmem:v38+s12+$0x0], $0xffff;
	[tilespmem:s24+$0x10800] =	vst v49;
	v49 =	vadd.s32 $0x4200, v2  }
0x1dc: {  	v39 =	vor.u32 $0x100, v17;
	v40 =	vld.idx.msk [tilespmem:v40+s12+$0x0], $0xffff;
	[tilespmem:s5+$0x14900] =	vst v52  }
0x1dd: {  	v43 =	vor.u32 $0x100, v37;
	v55 =	vld.idx.msk [tilespmem:v10+s12+$0x0], $0xffff;
	[tilespmem:s0+$0x10880] =	vst v62  }
0x1de: {  	v58 =	vadd.s32 $0x4180, v0;
	v57 =	vld.idx.msk [tilespmem:v48+s12+$0x0], $0xffff;
	[tilespmem:s4+$0x14900] =	vst v34  }
0x1df: {  	v56 =	vld.idx.msk [tilespmem:v63+s12+$0x0], $0xffff;
	[tilespmem:s2+$0x14980] =	vst v41  }
0x1e0: {  	v59 =	vor.u32 $0x180, v29;
	[tilespmem:s23+$0x10880] =	vst v38;
	v41 =	vld.idx.msk [tilespmem:v49+s12+$0x0], $0xffff  }
0x1e1: {  	v60 =	vor.u32 $0x180, v1;
	v39 =	vld.idx.msk [tilespmem:v39+s12+$0x0], $0xffff;
	[tilespmem:s24+$0x10880] =	vst v40  }
0x1e2: {  	v40 =	vld.idx.msk [tilespmem:v43+s12+$0x0], $0xffff;
	[tilespmem:s9+$0x14900] =	vst v61;
	v61 =	vadd.s32 $0x4280, v2  }
0x1e3: {  	v42 =	vor.u32 $0x180, v17;
	v32 =	vor.u32 $0x200, v17;
	v27 =	vor.u32 $0x280, v17;
	s2 =	smov.u32 s0;
	v63 =	vld.idx.msk [tilespmem:v58+s12+$0x0], $0xffff  }
0x1e4: {  	v25 =	vor.u32 $0x300, v17;
	v22 =	vor.u32 $0x380, v17;
	v44 =	vor.u32 $0x180, v37;
	v62 =	vld.idx.msk [tilespmem:v12+s12+$0x0], $0xffff;
	[tilespmem:s2+$0x10900] =	vst v56  }
0x1e5: {  	v15 =	vadd.s32 $0x4080, v17;
	v50 =	vadd.s32 $0x4180, v17;
	v53 =	vadd.s32 $0x4200, v17;
	[tilespmem:s29+$0x10900] =	vst v57;
	v48 =	vld.idx.msk [tilespmem:v59+s12+$0x0], $0xffff  }
0x1e6: {  	v33 =	vadd.s32 $0x4280, v17;
	v30 =	vor.u32 $0x200, v37;
	v28 =	vor.u32 $0x280, v37;
	v49 =	vld.idx.msk [tilespmem:v60+s12+$0x0], $0xffff;
	[tilespmem:s15+$0x14800] =	vst v41  }
0x1e7: {  	v26 =	vor.u32 $0x300, v37;
	v51 =	vadd.s32 $0x4180, v37;
	v10 =	vmovc v50;
	v50 =	vor.u32 $0x200, v29;
	[tilespmem:s23+$0x10900] =	vst v39;
	v41 =	vld.idx.msk [tilespmem:v61+s12+$0x0], $0xffff  }
0x1e8: {  	v21 =	vor.u32 $0x380, v37;
	v18 =	vadd.s32 $0x4000, v37;
	v12 =	vmovc v51;
	v51 =	vor.u32 $0x200, v1;
	v42 =	vld.idx.msk [tilespmem:v42+s12+$0x0], $0xffff;
	[tilespmem:s24+$0x10900] =	vst v40  }
0x1e9: {  	v16 =	vadd.s32 $0x4080, v37;
	v31 =	vadd.s32 $0x4100, v37;
	v56 =	vadd.s32 $0x4200, v0;
	[tilespmem:s5+$0x14980] =	vst v55;
	v40 =	vld.idx.msk [tilespmem:v44+s12+$0x0], $0xffff  }
0x1ea: {  	v54 =	vadd.s32 $0x4200, v37;
	v24 =	vadd.s32 $0x4100, v17;
	v52 =	vadd.s32 $0x4300, v2;
	v55 =	vld.idx.msk [tilespmem:v9+s12+$0x0], $0xffff;
	[tilespmem:s9+$0x14980] =	vst v62  }
0x1eb: {  	v19 =	vadd.s32 $0x4000, v17;
	v23 =	vadd.s32 $0x4300, v17;
	v14 =	vmovc v31;
	v31 =	vadd.s32 $0x4280, v37;
	v34 =	vld.idx.msk [tilespmem:v11+s12+$0x0], $0xffff;
	[tilespmem:s2+$0x10980] =	vst v48  }
0x1ec: {  	p1 =	por !p1, !p1;
	[dreg:$0x5] =	wrdreg s3;
	s3 =	simm.s32 $0x1;
	v13 =	vmovc v24;
	v24 =	vadd.s32 $0x4300, v37;
	v20 =	vadd.s32 $0x4380, v17;
	v17 =	vadd.s32 $0x4380, v37;
	[tilespmem:s29+$0x10980] =	vst v49;
	v37 =	vld.idx.msk [tilespmem:v50+s12+$0x0], $0xffff  }
0x1ed: {  	s3 =	simm.s32 @!p1 $0x0;
	v57 =	vld.idx.msk [tilespmem:v51+s12+$0x0], $0xffff;
	[tilespmem:s4+$0x14980] =	vst v63  }
0x1ee: {  	s3 =	sshll.u32 s3, $0x6;
	v58 =	vor.u32 $0x280, v29;
	s5 =	smov.u32 s23;
	[tilespmem:s16+$0x14800] =	vst v41;
	v38 =	vld.idx.msk [tilespmem:v56+s12+$0x0], $0xffff  }
0x1ef: {  	v59 =	vor.u32 $0x280, v1;
	s9 =	smov.u32 s24;
	[tilespmem:s5+$0x10980] =	vst v42;
	s16 =	sadd.s32 s3, s13;
	v36 =	vld.idx.msk [tilespmem:v52+s12+$0x0], $0xffff  }
0x1f0: {  	v60 =	vadd.s32 $0x4380, v2;
	v32 =	vld.idx.msk [tilespmem:v32+s12+$0x0], $0xffff;
	[tilespmem:s9+$0x10980] =	vst v40;
	s24 =	sadd.s32 $0x30, s16  }
0x1f1: {  	[tilespmem:s8+$0x14800] =	vst v55;
	v30 =	vld.idx.msk [tilespmem:v30+s12+$0x0], $0xffff;
	s15 =	sor.u32 $0x200, s24  }
0x1f2: {  	v2 =	vmov v29;
	s0 =	sor.u32 $0x200, s16;
	v29 =	vld.idx.msk [tilespmem:v7+s12+$0x0], $0xffff;
	[tilespmem:s15+$0x10800] =	vst v37  }
0x1f3: {  	s14 =	sadd.s32 $0x4, s14;
	s17 =	sadd.s32 $0x40, s17;
	v61 =	vadd.s32 $0x4280, v0;
	s3 =	sadd.s32 $0x10, s16;
	[tilespmem:s0+$0x10800] =	vst v57;
	v37 =	vld.idx.msk [tilespmem:v58+s12+$0x0], $0xffff  }
0x1f4: {  	s21 =	smov.u32 s19;
	s19 =	sadd.s32 $0x20, s16;
	s8 =	sor.u32 $0x200, s3;
	v39 =	vld.idx.msk [tilespmem:v59+s12+$0x0], $0xffff;
	[tilespmem:s18+$0x14800] =	vst v36  }
0x1f5: {  	p2 =	slt.u32 s14, $0x7C;
	[dreg:$0xa] =	wrdreg s21;
	v62 =	vor.u32 $0x300, v2;
	s30 =	sor.u32 $0x200, s19;
	[tilespmem:s8+$0x10800] =	vst v32;
	v35 =	vld.idx.msk [tilespmem:v60+s12+$0x0], $0xffff  }
0x1f6: {  	s4 =	smov.u32 s29;
	v63 =	vor.u32 $0x300, v1;
	s25 =	sor.u32 $0x280, s16;
	s23 =	sor.u32 $0x300, s16;
	v32 =	vld.idx.msk [tilespmem:v27+s12+$0x0], $0xffff;
	[tilespmem:s30+$0x10800] =	vst v30  }
.Ltmp3:
0x1f7: {  	s28 =	sor.u32 $0x280, s19;
	v7 =	vmov v33;
	s22 =	sor.u32 $0x300, s19;
	[tilespmem:s20+$0x14800] =	vst v38;
	v33 =	vld.idx.msk [tilespmem:v28+s12+$0x0], $0xffff;
	(pc) =	sbr.rel @p2 .LBB2_5-.Ltmp3, $4  }
0x1f8: {  	s10 =	sor.u32 $0x380, s19;
	s19 =	sor.u32 $0x380, s16;
	s16 =	sor.u32 $0x280, s24;
	[tilespmem:s7+$0x14800] =	vst v34;
	v28 =	vld.idx.msk [tilespmem:v61+s12+$0x0], $0xffff  }
0x1f9: {  	s29 =	rddreg [dreg:$0x12];
	s26 =	sor.u32 $0x280, s3;
	s21 =	sor.u32 $0x300, s3;
	v30 =	vld.idx.msk [tilespmem:v8+s12+$0x0], $0xffff;
	[tilespmem:s16+$0x10800] =	vst v37  }
0x1fa: {  	s3 =	sor.u32 $0x380, s3;
	s20 =	smov.u32 s0;
	s0 =	rddreg [dreg:$0x11];
	v8 =	vmov v31;
	[tilespmem:s25+$0x10800] =	vst v39;
	v31 =	vld.idx.msk [tilespmem:v62+s12+$0x0], $0xffff  }
0x1fb: {  	v9 =	vmov v53;
	v11 =	vmov v54;
	s7 =	smov.u32 s30;
	s30 =	smov.u32 s31;
	s31 =	rddreg [dreg:$0xf];
	v27 =	vld.idx.msk [tilespmem:v63+s12+$0x0], $0xffff;
	[tilespmem:s6+$0x14800] =	vst v35  }
0x1fc: {  	_ =	sdelay $0x2  }
0x1fd: {  	[tilespmem:s26+$0x10800] =	vst v32;
	v61 =	vor.u32 $0x380, v2  }
0x1fe: {  	[tilespmem:s28+$0x10800] =	vst v33;
	v62 =	vor.u32 $0x380, v1;
	v25 =	vld.idx.msk [tilespmem:v25+s12+$0x0], $0xffff  }
0x1ff: {  	v26 =	vld.idx.msk [tilespmem:v26+s12+$0x0], $0xffff  }
0x200: {  	s6 =	sor.u32 $0x300, s24  }
0x201: {  	[tilespmem:s6+$0x10800] =	vst v31  }
0x202: {  	[tilespmem:s23+$0x10800] =	vst v27;
	v31 =	vld.idx.msk [tilespmem:v61+s12+$0x0], $0xffff  }
0x203: {  	v63 =	vadd.s32 $0x4000, v2;
	v32 =	vld.idx.msk [tilespmem:v62+s12+$0x0], $0xffff;
	[tilespmem:s21+$0x10800] =	vst v25  }
0x204: {  	v33 =	vadd.s32 $0x4000, v1;
	[tilespmem:s22+$0x10800] =	vst v26;
	v22 =	vld.idx.msk [tilespmem:v22+s12+$0x0], $0xffff  }
0x205: {  	v21 =	vld.idx.msk [tilespmem:v21+s12+$0x0], $0xffff  }
0x206: {  	s1 =	sor.u32 $0x380, s24  }
0x207: {  	[tilespmem:s1+$0x10800] =	vst v31  }
0x208: {  	[tilespmem:s19+$0x10800] =	vst v32;
	v25 =	vld.idx.msk [tilespmem:v63+s12+$0x0], $0xffff  }
0x209: {  	v34 =	vadd.s32 $0x4080, v2;
	v35 =	vld.idx.msk [tilespmem:v33+s12+$0x0], $0xffff;
	[tilespmem:s3+$0x10800] =	vst v22  }
0x20a: {  	v36 =	vadd.s32 $0x4080, v1;
	[tilespmem:s10+$0x10800] =	vst v21;
	v19 =	vld.idx.msk [tilespmem:v19+s12+$0x0], $0xffff  }
0x20b: {  	v18 =	vld.idx.msk [tilespmem:v18+s12+$0x0], $0xffff;
	_ =	sdelay $0x1  }
0x20c: {  	[tilespmem:s2+$0x14800] =	vst v25  }
0x20d: {  	[tilespmem:s4+$0x14800] =	vst v35;
	v22 =	vld.idx.msk [tilespmem:v34+s12+$0x0], $0xffff  }
0x20e: {  	v37 =	vadd.s32 $0x4100, v2;
	v38 =	vld.idx.msk [tilespmem:v36+s12+$0x0], $0xffff;
	[tilespmem:s5+$0x14800] =	vst v19  }
0x20f: {  	v39 =	vadd.s32 $0x4100, v1;
	[tilespmem:s9+$0x14800] =	vst v18;
	v15 =	vld.idx.msk [tilespmem:v15+s12+$0x0], $0xffff  }
0x210: {  	v16 =	vld.idx.msk [tilespmem:v16+s12+$0x0], $0xffff;
	_ =	sdelay $0x1  }
0x211: {  	[tilespmem:s2+$0x14880] =	vst v22  }
0x212: {  	[tilespmem:s4+$0x14880] =	vst v38;
	v19 =	vld.idx.msk [tilespmem:v37+s12+$0x0], $0xffff  }
0x213: {  	v40 =	vadd.s32 $0x4180, v2;
	v41 =	vld.idx.msk [tilespmem:v39+s12+$0x0], $0xffff;
	[tilespmem:s5+$0x14880] =	vst v15  }
0x214: {  	v42 =	vadd.s32 $0x4180, v1;
	[tilespmem:s9+$0x14880] =	vst v16;
	v13 =	vld.idx.msk [tilespmem:v13+s12+$0x0], $0xffff  }
0x215: {  	v14 =	vld.idx.msk [tilespmem:v14+s12+$0x0], $0xffff;
	_ =	sdelay $0x1  }
0x216: {  	[tilespmem:s2+$0x14900] =	vst v19  }
0x217: {  	[tilespmem:s4+$0x14900] =	vst v41;
	v15 =	vld.idx.msk [tilespmem:v40+s12+$0x0], $0xffff  }
0x218: {  	v43 =	vadd.s32 $0x4200, v2;
	v44 =	vld.idx.msk [tilespmem:v42+s12+$0x0], $0xffff;
	[tilespmem:s5+$0x14900] =	vst v13  }
0x219: {  	v45 =	vadd.s32 $0x4200, v1;
	[tilespmem:s9+$0x14900] =	vst v14;
	v10 =	vld.idx.msk [tilespmem:v10+s12+$0x0], $0xffff  }
0x21a: {  	v12 =	vld.idx.msk [tilespmem:v12+s12+$0x0], $0xffff  }
0x21b: {  	[tilespmem:s31+$0x14800] =	vst v29  }
0x21c: {  	[tilespmem:s2+$0x14980] =	vst v15  }
0x21d: {  	[tilespmem:s4+$0x14980] =	vst v44;
	v46 =	vld.idx.msk [tilespmem:v43+s12+$0x0], $0xffff  }
0x21e: {  	v50 =	vadd.s32 $0x4300, v0;
	v48 =	vld.idx.msk [tilespmem:v45+s12+$0x0], $0xffff;
	[tilespmem:s5+$0x14980] =	vst v10  }
0x21f: {  	[tilespmem:s9+$0x14980] =	vst v12;
	v9 =	vld.idx.msk [tilespmem:v9+s12+$0x0], $0xffff  }
0x220: {  	v47 =	vadd.s32 $0x4280, v2;
	[tilespmem:s0+$0x14800] =	vst v28;
	v11 =	vld.idx.msk [tilespmem:v11+s12+$0x0], $0xffff  }
0x221: {  	v49 =	vadd.s32 $0x4280, v1;
	[tilespmem:s29+$0x14800] =	vst v30  }
0x222: {  	v5 =	vld.idx.msk [tilespmem:v5+s12+$0x0], $0xffff;
	[tilespmem:s15+$0x14800] =	vst v46  }
0x223: {  	v54 =	vld.idx.msk [tilespmem:v50+s12+$0x0], $0xffff;
	[tilespmem:s20+$0x14800] =	vst v48  }
0x224: {  	v6 =	vld.idx.msk [tilespmem:v6+s12+$0x0], $0xffff;
	[tilespmem:s8+$0x14800] =	vst v9  }
0x225: {  	v51 =	vld.idx.msk [tilespmem:v47+s12+$0x0], $0xffff;
	[tilespmem:s7+$0x14800] =	vst v11  }
0x226: {  	v52 =	vadd.s32 $0x4300, v2;
	v53 =	vld.idx.msk [tilespmem:v49+s12+$0x0], $0xffff;
	s0 =	rddreg [dreg:$0xd]  }
0x227: {  	v55 =	vadd.s32 $0x4300, v1;
	v7 =	vld.idx.msk [tilespmem:v7+s12+$0x0], $0xffff;
	[tilespmem:s0+$0x14800] =	vst v5  }
0x228: {  	v8 =	vld.idx.msk [tilespmem:v8+s12+$0x0], $0xffff;
	s0 =	rddreg [dreg:$0xe];
	[tilespmem:s30+$0x14800] =	vst v54  }
0x229: {  	[tilespmem:s0+$0x14800] =	vst v6  }
0x22a: {  	v4 =	vld.idx.msk [tilespmem:v4+s12+$0x0], $0xffff;
	[tilespmem:s16+$0x14800] =	vst v51  }
0x22b: {  	[tilespmem:s25+$0x14800] =	vst v53;
	v57 =	vld.idx.msk [tilespmem:v52+s12+$0x0], $0xffff  }
0x22c: {  	v61 =	vld.idx.msk [tilespmem:v55+s12+$0x0], $0xffff;
	[tilespmem:s26+$0x14800] =	vst v7  }
0x22d: {  	v56 =	vadd.s32 $0x4380, v0;
	[tilespmem:s28+$0x14800] =	vst v8;
	v59 =	vld.idx.msk [tilespmem:v23+s12+$0x0], $0xffff  }
0x22e: {  	v58 =	vadd.s32 $0x4380, v2;
	v60 =	vld.idx.msk [tilespmem:v24+s12+$0x0], $0xffff;
	s0 =	rddreg [dreg:$0x8]  }
0x22f: {  	[tilespmem:s0+$0x14800] =	vst v4  }
0x230: {  	v3 =	vld.idx.msk [tilespmem:v3+s12+$0x0], $0xffff;
	[tilespmem:s6+$0x14800] =	vst v57  }
0x231: {  	v62 =	vadd.s32 $0x4380, v1;
	[tilespmem:s23+$0x14800] =	vst v61  }
0x232: {  	v0 =	vld.idx.msk [tilespmem:v56+s12+$0x0], $0xffff;
	[tilespmem:s21+$0x14800] =	vst v59  }
0x233: {  	v2 =	vld.idx.msk [tilespmem:v58+s12+$0x0], $0xffff;
	[tilespmem:s22+$0x14800] =	vst v60  }
0x234: {  	v63 =	vld.idx.msk [tilespmem:v20+s12+$0x0], $0xffff;
	s0 =	rddreg [dreg:$0x5]  }
0x235: {  	v5 =	vld.idx.msk [tilespmem:v17+s12+$0x0], $0xffff;
	[tilespmem:s0+$0x14800] =	vst v3  }
0x236: {  	v1 =	vld.idx.msk [tilespmem:v62+s12+$0x0], $0xffff;
	s0 =	rddreg [dreg:$0xa]  }
0x237: {  	[tilespmem:s0+$0x14800] =	vst v0  }
0x238: {  	[tilespmem:s1+$0x14800] =	vst v2  }
0x239: {  	[tilespmem:s3+$0x14800] =	vst v63  }
0x23a: {  	[tilespmem:s10+$0x14800] =	vst v5  }
0x23b: {  	s29 =	simm.s32 $0x10800;
	s3 =	rddreg [dreg:$0x1d];
	[tilespmem:s19+$0x14800] =	vst v1  }
.Ltmp4:
0x23c: {  	s28 =	sor.u32 $0x1000, s3;
	s1 =	rddreg [dreg:$0x16];
	(pc) =	sbr.rel @p0 .LBB2_8-.Ltmp4, $4  }
0x23d: {  	s5 =	simm.s32 $0x0;
	s30 =	rddreg [dreg:$0x1a];
	s1 =	sadd.s32 s28, s1  }
0x23e: {  	[hbm4b:s1+s5] =	stream.linear.scatter [tilespmem:s29], [sflag:$0x3], $0x4000, $0x38;
	[tilespmem:$0x18800] =	vst v63  }
0x23f: {  	s31 =	simm.s32 $0x14800;
	s0 =	sadd.s32 s30, s28  }
0x240: {  	[hbm4b:s0+s5] =	stream.linear.scatter [tilespmem:s31], [sflag:$0x4], $0x4000, $0x38;
	[tilespmem:$0x18800] =	vst v63  }
.Ltmp5:
0x241: {  	(pc) =	sbr.rel .LBB2_2-.Ltmp5, $4  }
0x242: {  	s0 =	rddreg [dreg:$0x18]  }
0x243: {  	s29 =	rddreg [dreg:$0x1c]  }
0x244: {  	s0 =	sadd.s32 s3, s0;
	s29 =	sadd.s32 $0x1, s29  }
0x245: {  	[tilespmem:s12], [sflag:$0x2] =	stream.linear.gather [hbm4b:s0+s5], $0x8000, $0x38;
	[tilespmem:$0x18800] =	vst v63  }
.LBB2_9:
0x246: {  	_ =	sfence.sel $0x180000  }
0x247: {  	[bflag:$0x0] =	sbarrier.arrive $0xFFFF  }
0x248: {  	_ =	strace $0x90000047  }
0x249: {  	s0 =	stileid.u32;
	[bflag:$0x2] =	sbarrier.arrive $0xFFFF  }
0x24a: {  	p0 =	sne.s32 s0, $0x0;
	s0 =	rddreg [dreg:$0x3]  }
0x24b: {  	s0 =	sadd.s32 @!p0 $0x100000, s0  }
0x24c: {  	[sflag:s0] =	ssyncadd.tile.s32 @!p0 $0x1;
	_ =	shalt  }
.Lfunc_end2:
_tile_overlayer_lowered:
.L_overlay_start_2:
0x24d: {  	(tag) =	ssettag $0x2  }
0x24e: {  	s0 =	rddreg [dreg:$0x0];
	s2 =	stileid.u32  }
0x24f: {  	s1 =	rddreg [dreg:$0x1];
	p0 =	sne.s32 s2, $0x0  }
0x250: {  	s3 =	rddreg [dreg:$0x2];
	[bflag:$0x3] =	sbarrier.arrive $0xFFFF;
	s2 =	simm.s32 @!p0 $0x1C06  }
0x251: {  	[timem:s3], [sflag:s2] =	dma.local @!p0 [hbm:s0], s1  }
0x252: {  	s0 =	simm.s32 @!p0 $0x6  }
0x253: {  	_ =	swait.ge @!p0 [sflag:s0], s1  }
0x254: {  	s1 =	ssub.s32 @!p0 $0x0, s1;
	[sflag:s0] =	ssyncset.done @!p0 $0x0  }
0x255: {  	[sflag:s0] =	ssyncadd.s32 @!p0 s1  }
0x256: {  	[bflag:$0x3] =	sbarrier.arrive $0xFFFF  }
0x257: {  	_ =	shalt  }

</sc_bundles>
